<compile_context>
chip_gen: v7x
topology: tpu7x:2x2x1
jax: 0.10.2.dev20260603
libtpu: 0.0.44.dev20260713+nightly
codegen_flags: <defaults>
</compile_context>

<pallas_src>
import functools

import numpy as _np

import jax
import jax.numpy as jnp
from jax import lax
from jax.experimental import pallas as pl
from jax.experimental.pallas import tpu as pltpu
from jax.experimental.pallas import tpu_sc as plsc

B, N, C, E, H = 2, 2048, 768, 8, 768
T = B * N
TILE = 1024
RBLK = 1024
NBLK = T // RBLK
MAXTILES = T // TILE + E
GROWS = MAXTILES * TILE
NWORK = 32
TPW = T // NWORK
TEM = 128


def _router_body(x_ref, gw_ref, gb_ref, gc_ref, tri_ref,
                 eid_ref, rank_ref, meta_ref, te_ref, carry_ref):
    i = pl.program_id(0)

    @pl.when(i == 0)
    def _init():
        carry_ref[...] = jnp.zeros_like(carry_ref)

    scores = lax.dot_general(gw_ref[...], x_ref[...],
                             (((0,), (1,)), ((), ())),
                             preferred_element_type=jnp.float32)
    scores = scores + gb_ref[...] - gc_ref[...]

    row = lax.broadcasted_iota(jnp.int32, (E, RBLK), 0)
    mx = jnp.max(scores, axis=0, keepdims=True)
    e = jnp.min(jnp.where(scores == mx, row, E), axis=0,
                keepdims=True)

    oh = (e == row).astype(jnp.float32)
    incl = jnp.dot(oh, tri_ref[...], preferred_element_type=jnp.float32)
    carry = carry_ref[...]
    rank = jnp.sum(oh * (incl + carry), axis=0,
                   keepdims=True) - 1.0
    new_carry = carry + incl[:, RBLK - 1:RBLK]
    carry_ref[...] = new_carry

    eid_ref[...] = e.reshape(1, 1, RBLK)
    rank_ref[...] = rank.astype(jnp.int32).reshape(1, 1, RBLK)

    @pl.when(i == NBLK - 1)
    def _meta():
        counts = new_carry
        ntiles = jnp.floor((counts + (TILE - 1.0)) * (1.0 / TILE))
        ge8 = (lax.broadcasted_iota(jnp.int32, (E, E), 0) >=
               lax.broadcasted_iota(jnp.int32, (E, E), 1)).astype(jnp.float32)
        cum_incl = jnp.dot(ge8, ntiles, preferred_element_type=jnp.float32)
        cum_excl = cum_incl - ntiles
        eye = (lax.broadcasted_iota(jnp.int32, (E, E), 0) ==
               lax.broadcasted_iota(jnp.int32, (E, E), 1)).astype(jnp.float32)
        seg_row = jnp.dot(jnp.ones((1, E), jnp.float32), eye * cum_excl,
                          preferred_element_type=jnp.float32) * float(TILE)
        ntot = cum_incl[E - 1:E, :].astype(jnp.int32)
        zeros7 = jnp.zeros((1, 7), jnp.int32)
        meta_ref[...] = jnp.concatenate(
            [seg_row.astype(jnp.int32), ntot, zeros7], axis=1)

        jcol = lax.broadcasted_iota(jnp.int32, (E, TEM), 1)
        ge = (jcol >= cum_incl.astype(jnp.int32)).astype(jnp.int32)
        te = jnp.minimum(jnp.sum(ge, axis=0, keepdims=True), E - 1)
        te_ref[...] = te
        te_ref[:, TEM - 1:TEM] = ntot


def _route(x2, gate_W, gb2, gc2, tri):
    return pl.pallas_call(
        _router_body,
        grid=(NBLK,),
        in_specs=[
            pl.BlockSpec((RBLK, C), lambda i: (i, 0)),
            pl.BlockSpec((C, E), lambda i: (0, 0)),
            pl.BlockSpec((E, 1), lambda i: (0, 0)),
            pl.BlockSpec((E, 1), lambda i: (0, 0)),
            pl.BlockSpec((RBLK, RBLK), lambda i: (0, 0)),
        ],
        out_specs=[
            pl.BlockSpec((1, 1, RBLK), lambda i: (i, 0, 0)),
            pl.BlockSpec((1, 1, RBLK), lambda i: (i, 0, 0)),
            pl.BlockSpec((1, 16), lambda i: (0, 0)),
            pl.BlockSpec((1, TEM), lambda i: (0, 0)),
        ],
        out_shape=[
            jax.ShapeDtypeStruct((NBLK, 1, RBLK), jnp.int32),
            jax.ShapeDtypeStruct((NBLK, 1, RBLK), jnp.int32),
            jax.ShapeDtypeStruct((1, 16), jnp.int32),
            jax.ShapeDtypeStruct((1, TEM), jnp.int32),
        ],
        scratch_shapes=[pltpu.VMEM((E, 1), jnp.float32)],
    )(x2, gate_W, gb2, gc2, tri)


@functools.cache
def _sc_mesh():
    return plsc.VectorSubcoreMesh(
        core_axis_name="c", subcore_axis_name="s",
        num_cores=2, num_subcores=16)


@functools.cache
def _make_dispatch():
    @functools.partial(
        pl.kernel,
        out_type=(jax.ShapeDtypeStruct((GROWS, C), jnp.float32),
                  jax.ShapeDtypeStruct((T,), jnp.int32)),
        mesh=_sc_mesh(),
        scratch_types=[
            pltpu.VMEM((TPW,), jnp.int32),
            pltpu.VMEM((TPW,), jnp.int32),
            pltpu.VMEM((16,), jnp.int32),
            pltpu.VMEM((TPW,), jnp.int32),
            pltpu.VMEM((TPW, C), jnp.float32),
            pltpu.SemaphoreType.DMA,
        ],
        compiler_params=pltpu.CompilerParams(needs_layout_passes=False),
    )
    def _dispatch(x_hbm, e_hbm, r_hbm, ps_hbm, xg_hbm, dest_hbm,
                  e_v, r_v, ps_v, dest_v, rows_v, sem):
        wid = lax.axis_index("s") * 2 + lax.axis_index("c")
        base = wid * TPW
        rows_dma = pltpu.async_copy(x_hbm.at[pl.ds(base, TPW)], rows_v, sem)
        pltpu.sync_copy(e_hbm.at[pl.ds(base, TPW)], e_v)
        pltpu.sync_copy(r_hbm.at[pl.ds(base, TPW)], r_v)
        pltpu.sync_copy(ps_hbm, ps_v)
        for i in range(TPW // 16):
            e16 = e_v[pl.ds(i * 16, 16)]
            r16 = r_v[pl.ds(i * 16, 16)]
            seg16 = plsc.load_gather(ps_v, [e16])
            dest_v[pl.ds(i * 16, 16)] = seg16 + r16
        pltpu.sync_copy(dest_v, dest_hbm.at[pl.ds(base, TPW)])
        rows_dma.wait()
        pltpu.async_copy(rows_v, xg_hbm.at[dest_v], sem).wait()

    return _dispatch


def _mlp_body(te_ref, xg_ref, w1_ref, b1_ref, w2_ref, b2_ref, yg_ref):
    j = pl.program_id(0)

    @pl.when(j < te_ref[TEM - 1])
    def _():
        h = jnp.dot(xg_ref[...], w1_ref[0],
                    preferred_element_type=jnp.float32) + b1_ref[0]
        h = jax.nn.gelu(h)
        yg_ref[...] = jnp.dot(h, w2_ref[0],
                              preferred_element_type=jnp.float32) + b2_ref[0]


def _grouped_mlp(te, xg, W1, b1, W2, b2):
    grid_spec = pltpu.PrefetchScalarGridSpec(
        num_scalar_prefetch=1,
        grid=(MAXTILES,),
        in_specs=[
            pl.BlockSpec((TILE, C), lambda j, te: (j, 0)),
            pl.BlockSpec((1, C, H), lambda j, te: (te[j], 0, 0)),
            pl.BlockSpec((1, 1, H), lambda j, te: (te[j], 0, 0)),
            pl.BlockSpec((1, H, C), lambda j, te: (te[j], 0, 0)),
            pl.BlockSpec((1, 1, C), lambda j, te: (te[j], 0, 0)),
        ],
        out_specs=pl.BlockSpec((TILE, C), lambda j, te: (j, 0)),
    )
    return pl.pallas_call(
        _mlp_body,
        grid_spec=grid_spec,
        out_shape=jax.ShapeDtypeStruct((GROWS, C), jnp.float32),
    )(te, xg, W1, b1, W2, b2)


@functools.cache
def _make_combine():
    @functools.partial(
        pl.kernel,
        out_type=jax.ShapeDtypeStruct((T, C), jnp.float32),
        mesh=_sc_mesh(),
        scratch_types=[
            pltpu.VMEM((TPW,), jnp.int32),
            pltpu.VMEM((TPW, C), jnp.float32),
            pltpu.SemaphoreType.DMA,
        ],
    )
    def _combine(yg_hbm, dest_hbm, out_hbm, dest_v, rows_v, sem):
        wid = lax.axis_index("s") * 2 + lax.axis_index("c")
        base = wid * TPW
        pltpu.sync_copy(dest_hbm.at[pl.ds(base, TPW)], dest_v)
        pltpu.async_copy(yg_hbm.at[dest_v], rows_v, sem).wait()
        pltpu.sync_copy(rows_v, out_hbm.at[pl.ds(base, TPW)])

    return _combine


def kernel(x, gate_W, gate_b, W1, b1, W2, b2, gate_center):
    x2 = x.reshape(T, C)
    gb2 = gate_b.reshape(E, 1)
    gc2 = gate_center.reshape(E, 1)

    tri = jnp.asarray(
        _np.triu(_np.ones((RBLK, RBLK), _np.float32)))

    eids, ranks, meta, te = _route(x2, gate_W, gb2, gc2, tri)
    eflat = eids.reshape(T)
    rflat = ranks.reshape(T)
    ps16 = meta.reshape(16)

    xg, dest = _make_dispatch()(x2, eflat, rflat, ps16)
    yg = _grouped_mlp(te.reshape(TEM), xg,
                      W1, b1.reshape(E, 1, H), W2, b2.reshape(E, 1, C))
    out = _make_combine()(yg, dest)
    return out.reshape(B, N, C)

# --- scband reference (transcript-rebuilt; emitter-appended) ---
"""Pipeline reference for scband-mo-eblock-49976239456503 (READ-ONLY COPY).

The authoritative reference and input builder live on the scoring server;
editing this copy changes nothing except your own understanding.
"""

import jax, jax.numpy as jnp
import numpy as np

B, N, C, E, H = 2, 2048, 768, 8, 768

def setup_inputs(seed: int = 0) -> dict:
    key = jax.random.key(seed)
    ks = jax.random.split(key, 6)
    x = jax.random.normal(ks[0], (B, N, C), dtype=jnp.float32)
    gate_W = jax.random.normal(ks[1], (C, E), dtype=jnp.float32) * 0.01
    gate_b = jnp.zeros((E,), dtype=jnp.float32)
    W1 = jax.random.normal(ks[2], (E, C, H), dtype=jnp.float32) * 0.02
    b1 = jnp.zeros((E, H), dtype=jnp.float32)
    W2 = jax.random.normal(ks[3], (E, H, C), dtype=jnp.float32) * 0.02
    b2 = jnp.zeros((E, C), dtype=jnp.float32)
    gate_center = jnp.zeros((1, 1, E), dtype=jnp.float32)
    return {"x": x, "gate_W": gate_W, "gate_b": gate_b, "W1": W1, "b1": b1, "W2": W2, "b2": b2, "gate_center": gate_center}

def reference(x, gate_W, gate_b, W1, b1, W2, b2, gate_center):
    b, n, c = x.shape
    n_experts = W1.shape[0]
    gate_scores = jnp.einsum('bnc,ce->bne', x, gate_W) + gate_b
    p_experts = jax.nn.softmax(gate_scores - gate_center, axis=-1)
    experts = jnp.argmax(p_experts, axis=-1).reshape(-1)
    xf = x.reshape(b * n, c)
    out = jnp.zeros_like(xf)
    for i in range(n_experts):
        h = jax.nn.gelu(xf @ W1[i] + b1[i])
        y = h @ W2[i] + b2[i]
        mask = (experts == i)[:, None]
        out = jnp.where(mask, y, out)
    return out.reshape(b, n, c)

if __name__ == "__main__":
    import jax
    _d = setup_inputs()
    print(jax.jit(kernel)(*tuple(_d.values())))

</pallas_src>

<mosaic_0001>
#map = affine_map<(d0, d1) -> (0, 0)>
#map1 = affine_map<(d0, d1) -> (0)>
module attributes {stable_mosaic.version = 14 : i64} {
  func.func @_dispatch(%arg0: i32, %arg1: i32, %arg2: memref<4096x768xf32, #tpu.memory_space<hbm>>, %arg3: memref<4096xi32, #tpu.memory_space<hbm>>, %arg4: memref<4096xi32, #tpu.memory_space<hbm>>, %arg5: memref<16xi32, #tpu.memory_space<hbm>>, %arg6: memref<12288x768xf32, #tpu.memory_space<hbm>>, %arg7: memref<4096xi32, #tpu.memory_space<hbm>>, %arg8: memref<128xi32, #tpu.memory_space<vmem>>, %arg9: memref<128xi32, #tpu.memory_space<vmem>>, %arg10: memref<16xi32, #tpu.memory_space<vmem>>, %arg11: memref<128xi32, #tpu.memory_space<vmem>>, %arg12: memref<128x768xf32, #tpu.memory_space<vmem>>, %arg13: memref<!tpu.dma_semaphore, #tpu.memory_space<semaphore_mem>>) attributes {dimension_semantics = [#tpu.dimension_semantics<core_parallel>, #tpu.dimension_semantics<subcore_parallel>], iteration_bounds = array<i64: 2, 16>, scalar_prefetch = 0 : i64, scratch_operands = 6 : i64, tpu.core_type = #tpu.core_type<sc_vector_subcore>, window_params = [{transform_indices = #map}, {transform_indices = #map1}, {transform_indices = #map1}, {transform_indices = #map1}, {transform_indices = #map}, {transform_indices = #map1}]} {
    %mul3A = arith.constant 2 : i32
    %mul3A_0 = arith.muli %arg1, %mul3A : i32
    %add3A = arith.addi %mul3A_0, %arg0 : i32
    %mul3A_1 = arith.constant 128 : i32
    %mul3A_2 = arith.muli %add3A, %mul3A_1 : i32
    %dma_start3A = arith.constant 0 : i32
    %dma_start3A_3 = tpu.memref_slice %arg2[%mul3A_2, %dma_start3A] : memref<4096x768xf32, #tpu.memory_space<hbm>> -> memref<128x768xf32, #tpu.memory_space<hbm>>
    %dma_start3A_4 = arith.constant 0 : i32
    %dma_start3A_5 = tpu.memref_slice %arg2[%mul3A_2, %dma_start3A_4] : memref<4096x768xf32, #tpu.memory_space<hbm>> -> memref<128x768xf32, #tpu.memory_space<hbm>>
    tpu.enqueue_dma source(%dma_start3A_5 : memref<128x768xf32, #tpu.memory_space<hbm>>) target(%arg12 : memref<128x768xf32, #tpu.memory_space<vmem>>) target_semaphore(%arg13 : memref<!tpu.dma_semaphore, #tpu.memory_space<semaphore_mem>>)
    "tpu.region"() ({
      %run_scoped3A = tpu.sem_alloc : memref<!tpu.dma_semaphore, #tpu.memory_space<semaphore_mem>>
      %dma_start3A_76 = tpu.memref_slice %arg3[%mul3A_2] : memref<4096xi32, #tpu.memory_space<hbm>> -> memref<128xi32, #tpu.memory_space<hbm>>
      %dma_start3A_77 = tpu.memref_slice %arg3[%mul3A_2] : memref<4096xi32, #tpu.memory_space<hbm>> -> memref<128xi32, #tpu.memory_space<hbm>>
      tpu.enqueue_dma source(%dma_start3A_77 : memref<128xi32, #tpu.memory_space<hbm>>) target(%arg8 : memref<128xi32, #tpu.memory_space<vmem>>) target_semaphore(%run_scoped3A : memref<!tpu.dma_semaphore, #tpu.memory_space<semaphore_mem>>)
      %dma_wait3A_78 = tpu.memref_slice %arg3[%mul3A_2] : memref<4096xi32, #tpu.memory_space<hbm>> -> memref<128xi32, #tpu.memory_space<hbm>>
      %dma_wait3A_79 = tpu.memref_slice %arg3[%mul3A_2] : memref<4096xi32, #tpu.memory_space<hbm>> -> memref<128xi32, #tpu.memory_space<hbm>>
      tpu.wait_dma2 semaphore(%run_scoped3A : memref<!tpu.dma_semaphore, #tpu.memory_space<semaphore_mem>>) src(%dma_wait3A_79 : memref<128xi32, #tpu.memory_space<hbm>>) dst(%arg8 : memref<128xi32, #tpu.memory_space<vmem>>)
      tpu.yield
    }) : () -> ()
    "tpu.region"() ({
      %run_scoped3A = tpu.sem_alloc : memref<!tpu.dma_semaphore, #tpu.memory_space<semaphore_mem>>
      %dma_start3A_76 = tpu.memref_slice %arg4[%mul3A_2] : memref<4096xi32, #tpu.memory_space<hbm>> -> memref<128xi32, #tpu.memory_space<hbm>>
      %dma_start3A_77 = tpu.memref_slice %arg4[%mul3A_2] : memref<4096xi32, #tpu.memory_space<hbm>> -> memref<128xi32, #tpu.memory_space<hbm>>
      tpu.enqueue_dma source(%dma_start3A_77 : memref<128xi32, #tpu.memory_space<hbm>>) target(%arg9 : memref<128xi32, #tpu.memory_space<vmem>>) target_semaphore(%run_scoped3A : memref<!tpu.dma_semaphore, #tpu.memory_space<semaphore_mem>>)
      %dma_wait3A_78 = tpu.memref_slice %arg4[%mul3A_2] : memref<4096xi32, #tpu.memory_space<hbm>> -> memref<128xi32, #tpu.memory_space<hbm>>
      %dma_wait3A_79 = tpu.memref_slice %arg4[%mul3A_2] : memref<4096xi32, #tpu.memory_space<hbm>> -> memref<128xi32, #tpu.memory_space<hbm>>
      tpu.wait_dma2 semaphore(%run_scoped3A : memref<!tpu.dma_semaphore, #tpu.memory_space<semaphore_mem>>) src(%dma_wait3A_79 : memref<128xi32, #tpu.memory_space<hbm>>) dst(%arg9 : memref<128xi32, #tpu.memory_space<vmem>>)
      tpu.yield
    }) : () -> ()
    "tpu.region"() ({
      %run_scoped3A = tpu.sem_alloc : memref<!tpu.dma_semaphore, #tpu.memory_space<semaphore_mem>>
      tpu.enqueue_dma source(%arg5 : memref<16xi32, #tpu.memory_space<hbm>>) target(%arg10 : memref<16xi32, #tpu.memory_space<vmem>>) target_semaphore(%run_scoped3A : memref<!tpu.dma_semaphore, #tpu.memory_space<semaphore_mem>>)
      tpu.wait_dma2 semaphore(%run_scoped3A : memref<!tpu.dma_semaphore, #tpu.memory_space<semaphore_mem>>) src(%arg5 : memref<16xi32, #tpu.memory_space<hbm>>) dst(%arg10 : memref<16xi32, #tpu.memory_space<vmem>>)
      tpu.yield
    }) : () -> ()
    %get3A = arith.constant 0 : index
    %get3A_6 = tpu.vector_load %arg8[%get3A] {strides = array<i32>} : memref<128xi32, #tpu.memory_space<vmem>>, vector<16xi32>,
    %get3A_7 = arith.constant 0 : index
    %get3A_8 = tpu.vector_load %arg9[%get3A_7] {strides = array<i32>} : memref<128xi32, #tpu.memory_space<vmem>>, vector<16xi32>,
    %gather3A = tpu.vector_load_idx %arg10[%get3A_6] : memref<16xi32, #tpu.memory_space<vmem>>[vector<16xi32>], vector<16xi32>,
    %add3A_9 = arith.addi %gather3A, %get3A_8 : vector<16xi32>
    %swap3A = arith.constant 0 : index
    %swap3A_10 = tpu.vector_load %arg11[%swap3A] {strides = array<i32>} : memref<128xi32, #tpu.memory_space<vmem>>, vector<16xi32>,
    tpu.vector_store %arg11[%swap3A], %add3A_9 {strides = array<i32>} : memref<128xi32, #tpu.memory_space<vmem>>, vector<16xi32>,
    %get3A_11 = arith.constant 16 : index
    %get3A_12 = tpu.vector_load %arg8[%get3A_11] {strides = array<i32>} : memref<128xi32, #tpu.memory_space<vmem>>, vector<16xi32>,
    %get3A_13 = arith.constant 16 : index
    %get3A_14 = tpu.vector_load %arg9[%get3A_13] {strides = array<i32>} : memref<128xi32, #tpu.memory_space<vmem>>, vector<16xi32>,
    %gather3A_15 = tpu.vector_load_idx %arg10[%get3A_12] : memref<16xi32, #tpu.memory_space<vmem>>[vector<16xi32>], vector<16xi32>,
    %add3A_16 = arith.addi %gather3A_15, %get3A_14 : vector<16xi32>
    %swap3A_17 = arith.constant 16 : index
    %swap3A_18 = tpu.vector_load %arg11[%swap3A_17] {strides = array<i32>} : memref<128xi32, #tpu.memory_space<vmem>>, vector<16xi32>,
    tpu.vector_store %arg11[%swap3A_17], %add3A_16 {strides = array<i32>} : memref<128xi32, #tpu.memory_space<vmem>>, vector<16xi32>,
    %get3A_19 = arith.constant 32 : index
    %get3A_20 = tpu.vector_load %arg8[%get3A_19] {strides = array<i32>} : memref<128xi32, #tpu.memory_space<vmem>>, vector<16xi32>,
    %get3A_21 = arith.constant 32 : index
    %get3A_22 = tpu.vector_load %arg9[%get3A_21] {strides = array<i32>} : memref<128xi32, #tpu.memory_space<vmem>>, vector<16xi32>,
    %gather3A_23 = tpu.vector_load_idx %arg10[%get3A_20] : memref<16xi32, #tpu.memory_space<vmem>>[vector<16xi32>], vector<16xi32>,
    %add3A_24 = arith.addi %gather3A_23, %get3A_22 : vector<16xi32>
    %swap3A_25 = arith.constant 32 : index
    %swap3A_26 = tpu.vector_load %arg11[%swap3A_25] {strides = array<i32>} : memref<128xi32, #tpu.memory_space<vmem>>, vector<16xi32>,
    tpu.vector_store %arg11[%swap3A_25], %add3A_24 {strides = array<i32>} : memref<128xi32, #tpu.memory_space<vmem>>, vector<16xi32>,
    %get3A_27 = arith.constant 48 : index
    %get3A_28 = tpu.vector_load %arg8[%get3A_27] {strides = array<i32>} : memref<128xi32, #tpu.memory_space<vmem>>, vector<16xi32>,
    %get3A_29 = arith.constant 48 : index
    %get3A_30 = tpu.vector_load %arg9[%get3A_29] {strides = array<i32>} : memref<128xi32, #tpu.memory_space<vmem>>, vector<16xi32>,
    %gather3A_31 = tpu.vector_load_idx %arg10[%get3A_28] : memref<16xi32, #tpu.memory_space<vmem>>[vector<16xi32>], vector<16xi32>,
    %add3A_32 = arith.addi %gather3A_31, %get3A_30 : vector<16xi32>
    %swap3A_33 = arith.constant 48 : index
    %swap3A_34 = tpu.vector_load %arg11[%swap3A_33] {strides = array<i32>} : memref<128xi32, #tpu.memory_space<vmem>>, vector<16xi32>,
    tpu.vector_store %arg11[%swap3A_33], %add3A_32 {strides = array<i32>} : memref<128xi32, #tpu.memory_space<vmem>>, vector<16xi32>,
    %get3A_35 = arith.constant 64 : index
    %get3A_36 = tpu.vector_load %arg8[%get3A_35] {strides = array<i32>} : memref<128xi32, #tpu.memory_space<vmem>>, vector<16xi32>,
    %get3A_37 = arith.constant 64 : index
    %get3A_38 = tpu.vector_load %arg9[%get3A_37] {strides = array<i32>} : memref<128xi32, #tpu.memory_space<vmem>>, vector<16xi32>,
    %gather3A_39 = tpu.vector_load_idx %arg10[%get3A_36] : memref<16xi32, #tpu.memory_space<vmem>>[vector<16xi32>], vector<16xi32>,
    %add3A_40 = arith.addi %gather3A_39, %get3A_38 : vector<16xi32>
    %swap3A_41 = arith.constant 64 : index
    %swap3A_42 = tpu.vector_load %arg11[%swap3A_41] {strides = array<i32>} : memref<128xi32, #tpu.memory_space<vmem>>, vector<16xi32>,
    tpu.vector_store %arg11[%swap3A_41], %add3A_40 {strides = array<i32>} : memref<128xi32, #tpu.memory_space<vmem>>, vector<16xi32>,
    %get3A_43 = arith.constant 80 : index
    %get3A_44 = tpu.vector_load %arg8[%get3A_43] {strides = array<i32>} : memref<128xi32, #tpu.memory_space<vmem>>, vector<16xi32>,
    %get3A_45 = arith.constant 80 : index
    %get3A_46 = tpu.vector_load %arg9[%get3A_45] {strides = array<i32>} : memref<128xi32, #tpu.memory_space<vmem>>, vector<16xi32>,
    %gather3A_47 = tpu.vector_load_idx %arg10[%get3A_44] : memref<16xi32, #tpu.memory_space<vmem>>[vector<16xi32>], vector<16xi32>,
    %add3A_48 = arith.addi %gather3A_47, %get3A_46 : vector<16xi32>
    %swap3A_49 = arith.constant 80 : index
    %swap3A_50 = tpu.vector_load %arg11[%swap3A_49] {strides = array<i32>} : memref<128xi32, #tpu.memory_space<vmem>>, vector<16xi32>,
    tpu.vector_store %arg11[%swap3A_49], %add3A_48 {strides = array<i32>} : memref<128xi32, #tpu.memory_space<vmem>>, vector<16xi32>,
    %get3A_51 = arith.constant 96 : index
    %get3A_52 = tpu.vector_load %arg8[%get3A_51] {strides = array<i32>} : memref<128xi32, #tpu.memory_space<vmem>>, vector<16xi32>,
    %get3A_53 = arith.constant 96 : index
    %get3A_54 = tpu.vector_load %arg9[%get3A_53] {strides = array<i32>} : memref<128xi32, #tpu.memory_space<vmem>>, vector<16xi32>,
    %gather3A_55 = tpu.vector_load_idx %arg10[%get3A_52] : memref<16xi32, #tpu.memory_space<vmem>>[vector<16xi32>], vector<16xi32>,
    %add3A_56 = arith.addi %gather3A_55, %get3A_54 : vector<16xi32>
    %swap3A_57 = arith.constant 96 : index
    %swap3A_58 = tpu.vector_load %arg11[%swap3A_57] {strides = array<i32>} : memref<128xi32, #tpu.memory_space<vmem>>, vector<16xi32>,
    tpu.vector_store %arg11[%swap3A_57], %add3A_56 {strides = array<i32>} : memref<128xi32, #tpu.memory_space<vmem>>, vector<16xi32>,
    %get3A_59 = arith.constant 112 : index
    %get3A_60 = tpu.vector_load %arg8[%get3A_59] {strides = array<i32>} : memref<128xi32, #tpu.memory_space<vmem>>, vector<16xi32>,
    %get3A_61 = arith.constant 112 : index
    %get3A_62 = tpu.vector_load %arg9[%get3A_61] {strides = array<i32>} : memref<128xi32, #tpu.memory_space<vmem>>, vector<16xi32>,
    %gather3A_63 = tpu.vector_load_idx %arg10[%get3A_60] : memref<16xi32, #tpu.memory_space<vmem>>[vector<16xi32>], vector<16xi32>,
    %add3A_64 = arith.addi %gather3A_63, %get3A_62 : vector<16xi32>
    %swap3A_65 = arith.constant 112 : index
    %swap3A_66 = tpu.vector_load %arg11[%swap3A_65] {strides = array<i32>} : memref<128xi32, #tpu.memory_space<vmem>>, vector<16xi32>,
    tpu.vector_store %arg11[%swap3A_65], %add3A_64 {strides = array<i32>} : memref<128xi32, #tpu.memory_space<vmem>>, vector<16xi32>,
    "tpu.region"() ({
      %run_scoped3A = tpu.sem_alloc : memref<!tpu.dma_semaphore, #tpu.memory_space<semaphore_mem>>
      %dma_start3A_76 = tpu.memref_slice %arg7[%mul3A_2] : memref<4096xi32, #tpu.memory_space<hbm>> -> memref<128xi32, #tpu.memory_space<hbm>>
      %dma_start3A_77 = tpu.memref_slice %arg7[%mul3A_2] : memref<4096xi32, #tpu.memory_space<hbm>> -> memref<128xi32, #tpu.memory_space<hbm>>
      tpu.enqueue_dma source(%arg11 : memref<128xi32, #tpu.memory_space<vmem>>) target(%dma_start3A_77 : memref<128xi32, #tpu.memory_space<hbm>>) target_semaphore(%run_scoped3A : memref<!tpu.dma_semaphore, #tpu.memory_space<semaphore_mem>>)
      %dma_wait3A_78 = tpu.memref_slice %arg7[%mul3A_2] : memref<4096xi32, #tpu.memory_space<hbm>> -> memref<128xi32, #tpu.memory_space<hbm>>
      %dma_wait3A_79 = tpu.memref_slice %arg7[%mul3A_2] : memref<4096xi32, #tpu.memory_space<hbm>> -> memref<128xi32, #tpu.memory_space<hbm>>
      tpu.wait_dma2 semaphore(%run_scoped3A : memref<!tpu.dma_semaphore, #tpu.memory_space<semaphore_mem>>) src(%arg11 : memref<128xi32, #tpu.memory_space<vmem>>) dst(%dma_wait3A_79 : memref<128xi32, #tpu.memory_space<hbm>>)
      tpu.yield
    }) : () -> ()
    %dma_wait3A = arith.constant 0 : i32
    %dma_wait3A_67 = tpu.memref_slice %arg2[%mul3A_2, %dma_wait3A] : memref<4096x768xf32, #tpu.memory_space<hbm>> -> memref<128x768xf32, #tpu.memory_space<hbm>>
    %dma_wait3A_68 = arith.constant 0 : i32
    %dma_wait3A_69 = tpu.memref_slice %arg2[%mul3A_2, %dma_wait3A_68] : memref<4096x768xf32, #tpu.memory_space<hbm>> -> memref<128x768xf32, #tpu.memory_space<hbm>>
    tpu.wait_dma2 semaphore(%arg13 : memref<!tpu.dma_semaphore, #tpu.memory_space<semaphore_mem>>) src(%dma_wait3A_69 : memref<128x768xf32, #tpu.memory_space<hbm>>) dst(%arg12 : memref<128x768xf32, #tpu.memory_space<vmem>>)
    %dma_start3A_70 = arith.constant 0 : i32
    %dma_start3A_71 = arith.constant 0 : i32
    %dma_start3A_72 = tpu.memref_slice %arg6[%dma_start3A_70, %dma_start3A_71] : memref<12288x768xf32, #tpu.memory_space<hbm>> -> memref<12288x768xf32, #tpu.memory_space<hbm>>
    tpu.enqueue_indirect_dma source(%arg12 : memref<128x768xf32, #tpu.memory_space<vmem>>) target(%dma_start3A_72 : memref<12288x768xf32, #tpu.memory_space<hbm>>) offsets(%arg11 : memref<128xi32, #tpu.memory_space<vmem>>) semaphore(%arg13 : memref<!tpu.dma_semaphore, #tpu.memory_space<semaphore_mem>>)
    %dma_wait3A_73 = arith.constant 0 : i32
    %dma_wait3A_74 = arith.constant 0 : i32
    %dma_wait3A_75 = tpu.memref_slice %arg6[%dma_wait3A_73, %dma_wait3A_74] : memref<12288x768xf32, #tpu.memory_space<hbm>> -> memref<12288x768xf32, #tpu.memory_space<hbm>>
    tpu.wait_indirect_dma semaphore(%arg13 : memref<!tpu.dma_semaphore, #tpu.memory_space<semaphore_mem>>) src(%arg12 : memref<128x768xf32, #tpu.memory_space<vmem>>) dst(%dma_wait3A_75 : memref<12288x768xf32, #tpu.memory_space<hbm>>)
    return
  }
}

#map = affine_map<(d0, d1) -> (0, 0)>
#map1 = affine_map<(d0, d1) -> (0)>
module attributes {stable_mosaic.version = 14 : i64} {
  func.func @_combine(%arg0: i32, %arg1: i32, %arg2: memref<12288x768xf32, #tpu.memory_space<hbm>>, %arg3: memref<4096xi32, #tpu.memory_space<hbm>>, %arg4: memref<4096x768xf32, #tpu.memory_space<hbm>>, %arg5: memref<128xi32, #tpu.memory_space<vmem>>, %arg6: memref<128x768xf32, #tpu.memory_space<vmem>>, %arg7: memref<!tpu.dma_semaphore, #tpu.memory_space<semaphore_mem>>) attributes {dimension_semantics = [#tpu.dimension_semantics<core_parallel>, #tpu.dimension_semantics<subcore_parallel>], iteration_bounds = array<i64: 2, 16>, scalar_prefetch = 0 : i64, scratch_operands = 3 : i64, tpu.core_type = #tpu.core_type<sc_vector_subcore>, window_params = [{transform_indices = #map}, {transform_indices = #map1}, {transform_indices = #map}]} {
    %mul3A = arith.constant 2 : i32
    %mul3A_0 = arith.muli %arg1, %mul3A : i32
    %add3A = arith.addi %mul3A_0, %arg0 : i32
    %mul3A_1 = arith.constant 128 : i32
    %mul3A_2 = arith.muli %add3A, %mul3A_1 : i32
    "tpu.region"() ({
      %run_scoped3A = tpu.sem_alloc : memref<!tpu.dma_semaphore, #tpu.memory_space<semaphore_mem>>
      %dma_start3A_7 = tpu.memref_slice %arg3[%mul3A_2] : memref<4096xi32, #tpu.memory_space<hbm>> -> memref<128xi32, #tpu.memory_space<hbm>>
      %dma_start3A_8 = tpu.memref_slice %arg3[%mul3A_2] : memref<4096xi32, #tpu.memory_space<hbm>> -> memref<128xi32, #tpu.memory_space<hbm>>
      tpu.enqueue_dma source(%dma_start3A_8 : memref<128xi32, #tpu.memory_space<hbm>>) target(%arg5 : memref<128xi32, #tpu.memory_space<vmem>>) target_semaphore(%run_scoped3A : memref<!tpu.dma_semaphore, #tpu.memory_space<semaphore_mem>>)
      %dma_wait3A_9 = tpu.memref_slice %arg3[%mul3A_2] : memref<4096xi32, #tpu.memory_space<hbm>> -> memref<128xi32, #tpu.memory_space<hbm>>
      %dma_wait3A_10 = tpu.memref_slice %arg3[%mul3A_2] : memref<4096xi32, #tpu.memory_space<hbm>> -> memref<128xi32, #tpu.memory_space<hbm>>
      tpu.wait_dma2 semaphore(%run_scoped3A : memref<!tpu.dma_semaphore, #tpu.memory_space<semaphore_mem>>) src(%dma_wait3A_10 : memref<128xi32, #tpu.memory_space<hbm>>) dst(%arg5 : memref<128xi32, #tpu.memory_space<vmem>>)
      tpu.yield
    }) : () -> ()
    %dma_start3A = arith.constant 0 : i32
    %dma_start3A_3 = arith.constant 0 : i32
    %dma_start3A_4 = tpu.memref_slice %arg2[%dma_start3A, %dma_start3A_3] : memref<12288x768xf32, #tpu.memory_space<hbm>> -> memref<12288x768xf32, #tpu.memory_space<hbm>>
    tpu.enqueue_indirect_dma source(%dma_start3A_4 : memref<12288x768xf32, #tpu.memory_space<hbm>>) target(%arg6 : memref<128x768xf32, #tpu.memory_space<vmem>>) offsets(%arg5 : memref<128xi32, #tpu.memory_space<vmem>>) semaphore(%arg7 : memref<!tpu.dma_semaphore, #tpu.memory_space<semaphore_mem>>)
    %dma_wait3A = arith.constant 0 : i32
    %dma_wait3A_5 = arith.constant 0 : i32
    %dma_wait3A_6 = tpu.memref_slice %arg2[%dma_wait3A, %dma_wait3A_5] : memref<12288x768xf32, #tpu.memory_space<hbm>> -> memref<12288x768xf32, #tpu.memory_space<hbm>>
    tpu.wait_indirect_dma semaphore(%arg7 : memref<!tpu.dma_semaphore, #tpu.memory_space<semaphore_mem>>) src(%dma_wait3A_6 : memref<12288x768xf32, #tpu.memory_space<hbm>>) dst(%arg6 : memref<128x768xf32, #tpu.memory_space<vmem>>)
    "tpu.region"() ({
      %run_scoped3A = tpu.sem_alloc : memref<!tpu.dma_semaphore, #tpu.memory_space<semaphore_mem>>
      %dma_start3A_7 = arith.constant 0 : i32
      %dma_start3A_8 = tpu.memref_slice %arg4[%mul3A_2, %dma_start3A_7] : memref<4096x768xf32, #tpu.memory_space<hbm>> -> memref<128x768xf32, #tpu.memory_space<hbm>>
      %dma_start3A_9 = arith.constant 0 : i32
      %dma_start3A_10 = tpu.memref_slice %arg4[%mul3A_2, %dma_start3A_9] : memref<4096x768xf32, #tpu.memory_space<hbm>> -> memref<128x768xf32, #tpu.memory_space<hbm>>
      tpu.enqueue_dma source(%arg6 : memref<128x768xf32, #tpu.memory_space<vmem>>) target(%dma_start3A_10 : memref<128x768xf32, #tpu.memory_space<hbm>>) target_semaphore(%run_scoped3A : memref<!tpu.dma_semaphore, #tpu.memory_space<semaphore_mem>>)
      %dma_wait3A_11 = arith.constant 0 : i32
      %dma_wait3A_12 = tpu.memref_slice %arg4[%mul3A_2, %dma_wait3A_11] : memref<4096x768xf32, #tpu.memory_space<hbm>> -> memref<128x768xf32, #tpu.memory_space<hbm>>
      %dma_wait3A_13 = arith.constant 0 : i32
      %dma_wait3A_14 = tpu.memref_slice %arg4[%mul3A_2, %dma_wait3A_13] : memref<4096x768xf32, #tpu.memory_space<hbm>> -> memref<128x768xf32, #tpu.memory_space<hbm>>
      tpu.wait_dma2 semaphore(%run_scoped3A : memref<!tpu.dma_semaphore, #tpu.memory_space<semaphore_mem>>) src(%arg6 : memref<128x768xf32, #tpu.memory_space<vmem>>) dst(%dma_wait3A_14 : memref<128x768xf32, #tpu.memory_space<hbm>>)
      tpu.yield
    }) : () -> ()
    return
  }
}

module attributes {stable_mosaic.version = 14 : i64} {
  func.func @_router_body(%arg0: i32, %arg1: memref<1024x768xf32, #tpu.memory_space<vmem>>, %arg2: memref<768x8xf32, #tpu.memory_space<vmem>>, %arg3: memref<8x1xf32, #tpu.memory_space<vmem>>, %arg4: memref<8x1xf32, #tpu.memory_space<vmem>>, %arg5: memref<1024x1024xf32, #tpu.memory_space<vmem>>, %arg6: memref<1x1x1024xi32, #tpu.memory_space<vmem>>, %arg7: memref<1x1x1024xi32, #tpu.memory_space<vmem>>, %arg8: memref<1x16xi32, #tpu.memory_space<vmem>>, %arg9: memref<1x128xi32, #tpu.memory_space<vmem>>, %arg10: memref<8x1xf32, #tpu.memory_space<vmem>>) attributes {dimension_semantics = [#tpu.dimension_semantics<arbitrary>], iteration_bounds = array<i64: 4>, scalar_prefetch = 0 : i64, scratch_operands = 1 : i64, tpu.core_type = #tpu.core_type<tc>, window_params = [{transform_indices = @transform_0, window_bounds = array<i64: 1024, 768>}, {pipeline_mode = #tpu.pipeline_mode<synchronous>, transform_indices = @transform_1, window_bounds = array<i64: 768, 8>}, {pipeline_mode = #tpu.pipeline_mode<synchronous>, transform_indices = @transform_2, window_bounds = array<i64: 8, 1>}, {pipeline_mode = #tpu.pipeline_mode<synchronous>, transform_indices = @transform_3, window_bounds = array<i64: 8, 1>}, {pipeline_mode = #tpu.pipeline_mode<synchronous>, transform_indices = @transform_4, window_bounds = array<i64: 1024, 1024>}, {transform_indices = @transform_5, window_bounds = array<i64: 1, 1, 1024>}, {transform_indices = @transform_6, window_bounds = array<i64: 1, 1, 1024>}, {pipeline_mode = #tpu.pipeline_mode<synchronous>, transform_indices = @transform_7, window_bounds = array<i64: 1, 16>}, {pipeline_mode = #tpu.pipeline_mode<synchronous>, transform_indices = @transform_8, window_bounds = array<i64: 1, 128>}]} {
    %eq3A = arith.constant 0 : i32
    %eq3A_0 = arith.cmpi eq, %arg0, %eq3A : i32
    %convert_element_type3A = arith.extui %eq3A_0 : i1 to i32
    %cond3A = arith.constant 0 : i32
    %cond3A_1 = arith.cmpi ne, %convert_element_type3A, %cond3A : i32
    scf.if %cond3A_1 {
      %broadcast_in_dim3A_59 = arith.constant 0.000000e+00 : f32
      %broadcast_in_dim3A_60 = vector.broadcast %broadcast_in_dim3A_59 : f32 to vector<8x1xf32>
      %swap3A_61 = arith.constant 0 : index
      %swap3A_62 = arith.constant 0 : index
      %swap3A_63 = vector.load %arg10[%swap3A_61, %swap3A_62] : memref<8x1xf32, #tpu.memory_space<vmem>>, vector<8x1xf32>
      tpu.vector_store %arg10[%swap3A_61, %swap3A_62], %broadcast_in_dim3A_60 {strides = array<i32>} : memref<8x1xf32, #tpu.memory_space<vmem>>, vector<8x1xf32>,
    } else {
    }
    %get3A = arith.constant 0 : index
    %get3A_2 = arith.constant 0 : index
    %get3A_3 = vector.load %arg2[%get3A, %get3A_2] : memref<768x8xf32, #tpu.memory_space<vmem>>, vector<768x8xf32>
    %get3A_4 = arith.constant 0 : index
    %get3A_5 = arith.constant 0 : index
    %get3A_6 = vector.load %arg1[%get3A_4, %get3A_5] : memref<1024x768xf32, #tpu.memory_space<vmem>>, vector<1024x768xf32>
    %dot_general3A = arith.constant dense<0.000000e+00> : vector<8x1024xf32>
    %dot_general3A_7 = tpu.matmul %get3A_3, %get3A_6, %dot_general3A {dimension_numbers = #tpu.dot_dimension_numbers<[0], [1], [1], [0], [0, 1, 1, 0], [], []>, transpose_lhs_hint = false} : vector<768x8xf32>, vector<1024x768xf32>, vector<8x1024xf32> -> vector<8x1024xf32>
    %get3A_8 = arith.constant 0 : index
    %get3A_9 = arith.constant 0 : index
    %get3A_10 = vector.load %arg3[%get3A_8, %get3A_9] : memref<8x1xf32, #tpu.memory_space<vmem>>, vector<8x1xf32>
    %add3A = vector.broadcast %get3A_10 : vector<8x1xf32> to vector<8x1024xf32>
    %add3A_11 = arith.addf %dot_general3A_7, %add3A : vector<8x1024xf32>
    %get3A_12 = arith.constant 0 : index
    %get3A_13 = arith.constant 0 : index
    %get3A_14 = vector.load %arg4[%get3A_12, %get3A_13] : memref<8x1xf32, #tpu.memory_space<vmem>>, vector<8x1xf32>
    %sub3A = vector.broadcast %get3A_14 : vector<8x1xf32> to vector<8x1024xf32>
    %sub3A_15 = arith.subf %add3A_11, %sub3A : vector<8x1024xf32>
    %iota3A = tpu.iota {dimensions = array<i32: 0>} : vector<8x1024xi32>
    %reduce_max3A = arith.constant dense<0xFF800000> : vector<1024xf32>
    %reduce_max3A_16 = vector.multi_reduction <maximumf>, %sub3A_15, %reduce_max3A [0] : vector<8x1024xf32> to vector<1024xf32>
    %broadcast_in_dim3A = vector.shape_cast %reduce_max3A_16 : vector<1024xf32> to vector<1x1024xf32>
    %eq3A_17 = vector.broadcast %broadcast_in_dim3A : vector<1x1024xf32> to vector<8x1024xf32>
    %eq3A_18 = arith.cmpf oeq, %sub3A_15, %eq3A_17 : vector<8x1024xf32>
    %jit3A = arith.constant 8 : i32
    %broadcast_in_dim3A_19 = vector.broadcast %jit3A : i32 to vector<8x1024xi32>
    %select_n3A = arith.select %eq3A_18, %iota3A, %broadcast_in_dim3A_19 : vector<8x1024xi1>, vector<8x1024xi32>
    %reduce_min3A = arith.constant dense<2147483647> : vector<1024xi32>
    %reduce_min3A_20 = vector.multi_reduction <minsi>, %select_n3A, %reduce_min3A [0] : vector<8x1024xi32> to vector<1024xi32>
    %broadcast_in_dim3A_21 = vector.shape_cast %reduce_min3A_20 : vector<1024xi32> to vector<1x1024xi32>
    %eq3A_22 = vector.broadcast %broadcast_in_dim3A_21 : vector<1x1024xi32> to vector<8x1024xi32>
    %eq3A_23 = arith.cmpi eq, %eq3A_22, %iota3A : vector<8x1024xi32>
    %convert_element_type3A_24 = arith.extui %eq3A_23 : vector<8x1024xi1> to vector<8x1024xi32>
    %convert_element_type3A_25 = arith.sitofp %convert_element_type3A_24 : vector<8x1024xi32> to vector<8x1024xf32>
    %get3A_26 = arith.constant 0 : index
    %get3A_27 = arith.constant 0 : index
    %get3A_28 = vector.load %arg5[%get3A_26, %get3A_27] : memref<1024x1024xf32, #tpu.memory_space<vmem>>, vector<1024x1024xf32>
    %dot_general3A_29 = arith.constant dense<0.000000e+00> : vector<8x1024xf32>
    %dot_general3A_30 = tpu.matmul %convert_element_type3A_25, %get3A_28, %dot_general3A_29 {dimension_numbers = #tpu.dot_dimension_numbers<[1], [0], [0], [1], [0, 0, 1, 1], [], []>, transpose_lhs_hint = false} : vector<8x1024xf32>, vector<1024x1024xf32>, vector<8x1024xf32> -> vector<8x1024xf32>
    %get3A_31 = arith.constant 0 : index
    %get3A_32 = arith.constant 0 : index
    %get3A_33 = vector.load %arg10[%get3A_31, %get3A_32] : memref<8x1xf32, #tpu.memory_space<vmem>>, vector<8x1xf32>
    %add3A_34 = vector.broadcast %get3A_33 : vector<8x1xf32> to vector<8x1024xf32>
    %add3A_35 = arith.addf %dot_general3A_30, %add3A_34 : vector<8x1024xf32>
    %mul3A = arith.mulf %convert_element_type3A_25, %add3A_35 : vector<8x1024xf32>
    %reduce_sum3A = arith.constant dense<0.000000e+00> : vector<1024xf32>
    %reduce_sum3A_36 = vector.multi_reduction <add>, %mul3A, %reduce_sum3A [0] : vector<8x1024xf32> to vector<1024xf32>
    %broadcast_in_dim3A_37 = vector.shape_cast %reduce_sum3A_36 : vector<1024xf32> to vector<1x1024xf32>
    %sub3A_38 = arith.constant 1.000000e+00 : f32
    %sub3A_39 = vector.broadcast %sub3A_38 : f32 to vector<1x1024xf32>
    %sub3A_40 = arith.subf %broadcast_in_dim3A_37, %sub3A_39 : vector<1x1024xf32>
    %slice3A = vector.extract_strided_slice %dot_general3A_30 {offsets = [0, 1023], sizes = [8, 1], strides = [1, 1]} : vector<8x1024xf32> to vector<8x1xf32>
    %add3A_41 = arith.addf %get3A_33, %slice3A : vector<8x1xf32>
    %swap3A = arith.constant 0 : index
    %swap3A_42 = arith.constant 0 : index
    %swap3A_43 = vector.load %arg10[%swap3A, %swap3A_42] : memref<8x1xf32, #tpu.memory_space<vmem>>, vector<8x1xf32>
    tpu.vector_store %arg10[%swap3A, %swap3A_42], %add3A_41 {strides = array<i32>} : memref<8x1xf32, #tpu.memory_space<vmem>>, vector<8x1xf32>,
    %reshape3A = vector.shape_cast %broadcast_in_dim3A_21 : vector<1x1024xi32> to vector<1x1x1024xi32>
    %swap3A_44 = arith.constant 0 : index
    %swap3A_45 = arith.constant 0 : index
    %swap3A_46 = arith.constant 0 : index
    %swap3A_47 = vector.load %arg6[%swap3A_44, %swap3A_45, %swap3A_46] : memref<1x1x1024xi32, #tpu.memory_space<vmem>>, vector<1x1x1024xi32>
    tpu.vector_store %arg6[%swap3A_44, %swap3A_45, %swap3A_46], %reshape3A {strides = array<i32>} : memref<1x1x1024xi32, #tpu.memory_space<vmem>>, vector<1x1x1024xi32>,
    %convert_element_type3A_48 = arith.fptosi %sub3A_40 : vector<1x1024xf32> to vector<1x1024xi32>
    %reshape3A_49 = vector.shape_cast %convert_element_type3A_48 : vector<1x1024xi32> to vector<1x1x1024xi32>
    %swap3A_50 = arith.constant 0 : index
    %swap3A_51 = arith.constant 0 : index
    %swap3A_52 = arith.constant 0 : index
    %swap3A_53 = vector.load %arg7[%swap3A_50, %swap3A_51, %swap3A_52] : memref<1x1x1024xi32, #tpu.memory_space<vmem>>, vector<1x1x1024xi32>
    tpu.vector_store %arg7[%swap3A_50, %swap3A_51, %swap3A_52], %reshape3A_49 {strides = array<i32>} : memref<1x1x1024xi32, #tpu.memory_space<vmem>>, vector<1x1x1024xi32>,
    %eq3A_54 = arith.constant 3 : i32
    %eq3A_55 = arith.cmpi eq, %arg0, %eq3A_54 : i32
    %convert_element_type3A_56 = arith.extui %eq3A_55 : i1 to i32
    %cond3A_57 = arith.constant 0 : i32
    %cond3A_58 = arith.cmpi ne, %convert_element_type3A_56, %cond3A_57 : i32
    scf.if %cond3A_58 {
      %add3A_59 = arith.constant 1.023000e+03 : f32
      %add3A_60 = vector.broadcast %add3A_59 : f32 to vector<8x1xf32>
      %add3A_61 = arith.addf %add3A_41, %add3A_60 : vector<8x1xf32>
      %mul3A_62 = arith.constant 9.765625E-4 : f32
      %mul3A_63 = vector.broadcast %mul3A_62 : f32 to vector<8x1xf32>
      %mul3A_64 = arith.mulf %add3A_61, %mul3A_63 : vector<8x1xf32>
      %floor3A = math.floor %mul3A_64 : vector<8x1xf32>
      %iota3A_65 = tpu.iota {dimensions = array<i32: 0>} : vector<8x8xi32>
      %iota3A_66 = tpu.iota {dimensions = array<i32: 1>} : vector<8x8xi32>
      %ge3A = arith.cmpi sge, %iota3A_65, %iota3A_66 : vector<8x8xi32>
      %convert_element_type3A_67 = arith.extui %ge3A : vector<8x8xi1> to vector<8x8xi32>
      %convert_element_type3A_68 = arith.sitofp %convert_element_type3A_67 : vector<8x8xi32> to vector<8x8xf32>
      %dot_general3A_69 = arith.constant dense<0.000000e+00> : vector<8x1xf32>
      %dot_general3A_70 = tpu.matmul %convert_element_type3A_68, %floor3A, %dot_general3A_69 {dimension_numbers = #tpu.dot_dimension_numbers<[1], [0], [0], [1], [0, 0, 1, 1], [], []>, transpose_lhs_hint = false} : vector<8x8xf32>, vector<8x1xf32>, vector<8x1xf32> -> vector<8x1xf32>
      %sub3A_71 = arith.subf %dot_general3A_70, %floor3A : vector<8x1xf32>
      %iota3A_72 = tpu.iota {dimensions = array<i32: 0>} : vector<8x8xi32>
      %iota3A_73 = tpu.iota {dimensions = array<i32: 1>} : vector<8x8xi32>
      %eq3A_74 = arith.cmpi eq, %iota3A_72, %iota3A_73 : vector<8x8xi32>
      %convert_element_type3A_75 = arith.extui %eq3A_74 : vector<8x8xi1> to vector<8x8xi32>
      %convert_element_type3A_76 = arith.sitofp %convert_element_type3A_75 : vector<8x8xi32> to vector<8x8xf32>
      %broadcast_in_dim3A_77 = arith.constant 1.000000e+00 : f32
      %broadcast_in_dim3A_78 = vector.broadcast %broadcast_in_dim3A_77 : f32 to vector<1x8xf32>
      %mul3A_79 = vector.broadcast %sub3A_71 : vector<8x1xf32> to vector<8x8xf32>
      %mul3A_80 = arith.mulf %convert_element_type3A_76, %mul3A_79 : vector<8x8xf32>
      %dot_general3A_81 = arith.constant dense<0.000000e+00> : vector<1x8xf32>
      %dot_general3A_82 = tpu.matmul %broadcast_in_dim3A_78, %mul3A_80, %dot_general3A_81 {dimension_numbers = #tpu.dot_dimension_numbers<[1], [0], [0], [1], [0, 0, 1, 1], [], []>, transpose_lhs_hint = false} : vector<1x8xf32>, vector<8x8xf32>, vector<1x8xf32> -> vector<1x8xf32>
      %mul3A_83 = arith.constant 1.024000e+03 : f32
      %mul3A_84 = vector.broadcast %mul3A_83 : f32 to vector<1x8xf32>
      %mul3A_85 = arith.mulf %dot_general3A_82, %mul3A_84 : vector<1x8xf32>
      %slice3A_86 = vector.extract_strided_slice %dot_general3A_70 {offsets = [7, 0], sizes = [1, 1], strides = [1, 1]} : vector<8x1xf32> to vector<1x1xf32>
      %convert_element_type3A_87 = arith.fptosi %slice3A_86 : vector<1x1xf32> to vector<1x1xi32>
      %broadcast_in_dim3A_88 = arith.constant 0 : i32
      %broadcast_in_dim3A_89 = vector.broadcast %broadcast_in_dim3A_88 : i32 to vector<1x7xi32>
      %convert_element_type3A_90 = arith.fptosi %mul3A_85 : vector<1x8xf32> to vector<1x8xi32>
      %concatenate3A = tpu.concatenate %convert_element_type3A_90, %convert_element_type3A_87, %broadcast_in_dim3A_89 in 1 : vector<1x8xi32>, vector<1x1xi32>, vector<1x7xi32> -> vector<1x16xi32>
      %swap3A_91 = arith.constant 0 : index
      %swap3A_92 = arith.constant 0 : index
      %swap3A_93 = vector.load %arg8[%swap3A_91, %swap3A_92] : memref<1x16xi32, #tpu.memory_space<vmem>>, vector<1x16xi32>
      tpu.vector_store %arg8[%swap3A_91, %swap3A_92], %concatenate3A {strides = array<i32>} : memref<1x16xi32, #tpu.memory_space<vmem>>, vector<1x16xi32>,
      %iota3A_94 = tpu.iota {dimensions = array<i32: 1>} : vector<8x128xi32>
      %convert_element_type3A_95 = arith.fptosi %dot_general3A_70 : vector<8x1xf32> to vector<8x1xi32>
      %ge3A_96 = vector.broadcast %convert_element_type3A_95 : vector<8x1xi32> to vector<8x128xi32>
      %ge3A_97 = arith.cmpi sge, %iota3A_94, %ge3A_96 : vector<8x128xi32>
      %convert_element_type3A_98 = arith.extui %ge3A_97 : vector<8x128xi1> to vector<8x128xi32>
      %reduce_sum3A_99 = arith.constant dense<0> : vector<128xi32>
      %reduce_sum3A_100 = vector.multi_reduction <add>, %convert_element_type3A_98, %reduce_sum3A_99 [0] : vector<8x128xi32> to vector<128xi32>
      %broadcast_in_dim3A_101 = vector.shape_cast %reduce_sum3A_100 : vector<128xi32> to vector<1x128xi32>
      %min3A = arith.constant 7 : i32
      %min3A_102 = vector.broadcast %min3A : i32 to vector<1x128xi32>
      %min3A_103 = arith.minsi %broadcast_in_dim3A_101, %min3A_102 : vector<1x128xi32>
      %swap3A_104 = arith.constant 0 : index
      %swap3A_105 = arith.constant 0 : index
      %swap3A_106 = vector.load %arg9[%swap3A_104, %swap3A_105] : memref<1x128xi32, #tpu.memory_space<vmem>>, vector<1x128xi32>
      tpu.vector_store %arg9[%swap3A_104, %swap3A_105], %min3A_103 {strides = array<i32>} : memref<1x128xi32, #tpu.memory_space<vmem>>, vector<1x128xi32>,
      %swap3A_107 = arith.constant 0 : index
      %swap3A_108 = arith.constant 127 : index
      %swap3A_109 = vector.load %arg9[%swap3A_107, %swap3A_108] : memref<1x128xi32, #tpu.memory_space<vmem>>, vector<1x1xi32>
      tpu.vector_store %arg9[%swap3A_107, %swap3A_108], %convert_element_type3A_87 {strides = array<i32>} : memref<1x128xi32, #tpu.memory_space<vmem>>, vector<1x1xi32>,
    } else {
    }
    return
  }
  func.func @transform_0(%arg0: i32) -> (i32, i32) {
    %c0_i32 = arith.constant 0 : i32
    %c0_i32_0 = arith.constant 0 : i32
    return %arg0, %c0_i32 : i32, i32
  }
  func.func @transform_1(%arg0: i32) -> (i32, i32) {
    %c0_i32 = arith.constant 0 : i32
    %c0_i32_0 = arith.constant 0 : i32
    %c0_i32_1 = arith.constant 0 : i32
    return %c0_i32, %c0_i32_0 : i32, i32
  }
  func.func @transform_2(%arg0: i32) -> (i32, i32) {
    %c0_i32 = arith.constant 0 : i32
    %c0_i32_0 = arith.constant 0 : i32
    %c0_i32_1 = arith.constant 0 : i32
    return %c0_i32, %c0_i32_0 : i32, i32
  }
  func.func @transform_3(%arg0: i32) -> (i32, i32) {
    %c0_i32 = arith.constant 0 : i32
    %c0_i32_0 = arith.constant 0 : i32
    %c0_i32_1 = arith.constant 0 : i32
    return %c0_i32, %c0_i32_0 : i32, i32
  }
  func.func @transform_4(%arg0: i32) -> (i32, i32) {
    %c0_i32 = arith.constant 0 : i32
    %c0_i32_0 = arith.constant 0 : i32
    %c0_i32_1 = arith.constant 0 : i32
    return %c0_i32, %c0_i32_0 : i32, i32
  }
  func.func @transform_5(%arg0: i32) -> (i32, i32, i32) {
    %c0_i32 = arith.constant 0 : i32
    %c0_i32_0 = arith.constant 0 : i32
    %c0_i32_1 = arith.constant 0 : i32
    return %arg0, %c0_i32, %c0_i32_0 : i32, i32, i32
  }
  func.func @transform_6(%arg0: i32) -> (i32, i32, i32) {
    %c0_i32 = arith.constant 0 : i32
    %c0_i32_0 = arith.constant 0 : i32
    %c0_i32_1 = arith.constant 0 : i32
    return %arg0, %c0_i32, %c0_i32_0 : i32, i32, i32
  }
  func.func @transform_7(%arg0: i32) -> (i32, i32) {
    %c0_i32 = arith.constant 0 : i32
    %c0_i32_0 = arith.constant 0 : i32
    %c0_i32_1 = arith.constant 0 : i32
    return %c0_i32, %c0_i32_0 : i32, i32
  }
  func.func @transform_8(%arg0: i32) -> (i32, i32) {
    %c0_i32 = arith.constant 0 : i32
    %c0_i32_0 = arith.constant 0 : i32
    %c0_i32_1 = arith.constant 0 : i32
    return %c0_i32, %c0_i32_0 : i32, i32
  }
}

module attributes {stable_mosaic.version = 14 : i64} {
  func.func @_mlp_body(%arg0: i32, %arg1: memref<128xi32, #tpu.memory_space<smem>>, %arg2: memref<1024x768xf32, #tpu.memory_space<vmem>>, %arg3: memref<1x768x768xf32, #tpu.memory_space<vmem>>, %arg4: memref<1x1x768xf32, #tpu.memory_space<vmem>>, %arg5: memref<1x768x768xf32, #tpu.memory_space<vmem>>, %arg6: memref<1x1x768xf32, #tpu.memory_space<vmem>>, %arg7: memref<1024x768xf32, #tpu.memory_space<vmem>>) attributes {dimension_semantics = [#tpu.dimension_semantics<arbitrary>], iteration_bounds = array<i64: 12>, scalar_prefetch = 1 : i64, scratch_operands = 0 : i64, tpu.core_type = #tpu.core_type<tc>, window_params = [{transform_indices = @transform_0, window_bounds = array<i64: 1024, 768>}, {transform_indices = @transform_1, window_bounds = array<i64: 1, 768, 768>}, {transform_indices = @transform_2, window_bounds = array<i64: 1, 1, 768>}, {transform_indices = @transform_3, window_bounds = array<i64: 1, 768, 768>}, {transform_indices = @transform_4, window_bounds = array<i64: 1, 1, 768>}, {transform_indices = @transform_5, window_bounds = array<i64: 1024, 768>}]} {
    %get3A = arith.constant 127 : index
    %get3A_0 = memref.load %arg1[%get3A] : memref<128xi32, #tpu.memory_space<smem>>
    %lt3A = arith.cmpi slt, %arg0, %get3A_0 : i32
    %convert_element_type3A = arith.extui %lt3A : i1 to i32
    %cond3A = arith.constant 0 : i32
    %cond3A_1 = arith.cmpi ne, %convert_element_type3A, %cond3A : i32
    scf.if %cond3A_1 {
      %get3A_2 = arith.constant 0 : index
      %get3A_3 = arith.constant 0 : index
      %get3A_4 = vector.load %arg2[%get3A_2, %get3A_3] : memref<1024x768xf32, #tpu.memory_space<vmem>>, vector<1024x768xf32>
      %get3A_5 = arith.constant 0 : index
      %get3A_6 = arith.constant 0 : index
      %get3A_7 = arith.constant 0 : index
      %get3A_8 = vector.load %arg3[%get3A_5, %get3A_6, %get3A_7] : memref<1x768x768xf32, #tpu.memory_space<vmem>>, vector<1x768x768xf32>
      %get3A_9 = vector.shape_cast %get3A_8 : vector<1x768x768xf32> to vector<768x768xf32>
      %dot_general3A = arith.constant dense<0.000000e+00> : vector<1024x768xf32>
      %dot_general3A_10 = tpu.matmul %get3A_4, %get3A_9, %dot_general3A {dimension_numbers = #tpu.dot_dimension_numbers<[1], [0], [0], [1], [0, 0, 1, 1], [], []>, transpose_lhs_hint = false} : vector<1024x768xf32>, vector<768x768xf32>, vector<1024x768xf32> -> vector<1024x768xf32>
      %get3A_11 = arith.constant 0 : index
      %get3A_12 = arith.constant 0 : index
      %get3A_13 = arith.constant 0 : index
      %get3A_14 = vector.load %arg4[%get3A_11, %get3A_12, %get3A_13] : memref<1x1x768xf32, #tpu.memory_space<vmem>>, vector<1x1x768xf32>
      %get3A_15 = vector.shape_cast %get3A_14 : vector<1x1x768xf32> to vector<1x768xf32>
      %add3A = vector.broadcast %get3A_15 : vector<1x768xf32> to vector<1024x768xf32>
      %add3A_16 = arith.addf %dot_general3A_10, %add3A : vector<1024x768xf32>
      %integer_pow3A = arith.mulf %add3A_16, %add3A_16 : vector<1024x768xf32>
      %integer_pow3A_17 = arith.mulf %add3A_16, %integer_pow3A : vector<1024x768xf32>
      %mul3A = arith.constant 4.471500e-02 : f32
      %mul3A_18 = vector.broadcast %mul3A : f32 to vector<1024x768xf32>
      %mul3A_19 = arith.mulf %mul3A_18, %integer_pow3A_17 : vector<1024x768xf32>
      %add3A_20 = arith.addf %add3A_16, %mul3A_19 : vector<1024x768xf32>
      %mul3A_21 = arith.constant 0.797884583 : f32
      %mul3A_22 = vector.broadcast %mul3A_21 : f32 to vector<1024x768xf32>
      %mul3A_23 = arith.mulf %mul3A_22, %add3A_20 : vector<1024x768xf32>
      %tanh3A = math.tanh %mul3A_23 : vector<1024x768xf32>
      %add3A_24 = arith.constant 1.000000e+00 : f32
      %add3A_25 = vector.broadcast %add3A_24 : f32 to vector<1024x768xf32>
      %add3A_26 = arith.addf %add3A_25, %tanh3A : vector<1024x768xf32>
      %mul3A_27 = arith.constant 5.000000e-01 : f32
      %mul3A_28 = vector.broadcast %mul3A_27 : f32 to vector<1024x768xf32>
      %mul3A_29 = arith.mulf %mul3A_28, %add3A_26 : vector<1024x768xf32>
      %mul3A_30 = arith.mulf %add3A_16, %mul3A_29 : vector<1024x768xf32>
      %get3A_31 = arith.constant 0 : index
      %get3A_32 = arith.constant 0 : index
      %get3A_33 = arith.constant 0 : index
      %get3A_34 = vector.load %arg5[%get3A_31, %get3A_32, %get3A_33] : memref<1x768x768xf32, #tpu.memory_space<vmem>>, vector<1x768x768xf32>
      %get3A_35 = vector.shape_cast %get3A_34 : vector<1x768x768xf32> to vector<768x768xf32>
      %dot_general3A_36 = arith.constant dense<0.000000e+00> : vector<1024x768xf32>
      %dot_general3A_37 = tpu.matmul %mul3A_30, %get3A_35, %dot_general3A_36 {dimension_numbers = #tpu.dot_dimension_numbers<[1], [0], [0], [1], [0, 0, 1, 1], [], []>, transpose_lhs_hint = false} : vector<1024x768xf32>, vector<768x768xf32>, vector<1024x768xf32> -> vector<1024x768xf32>
      %get3A_38 = arith.constant 0 : index
      %get3A_39 = arith.constant 0 : index
      %get3A_40 = arith.constant 0 : index
      %get3A_41 = vector.load %arg6[%get3A_38, %get3A_39, %get3A_40] : memref<1x1x768xf32, #tpu.memory_space<vmem>>, vector<1x1x768xf32>
      %get3A_42 = vector.shape_cast %get3A_41 : vector<1x1x768xf32> to vector<1x768xf32>
      %add3A_43 = vector.broadcast %get3A_42 : vector<1x768xf32> to vector<1024x768xf32>
      %add3A_44 = arith.addf %dot_general3A_37, %add3A_43 : vector<1024x768xf32>
      %swap3A = arith.constant 0 : index
      %swap3A_45 = arith.constant 0 : index
      %swap3A_46 = vector.load %arg7[%swap3A, %swap3A_45] : memref<1024x768xf32, #tpu.memory_space<vmem>>, vector<1024x768xf32>
      tpu.vector_store %arg7[%swap3A, %swap3A_45], %add3A_44 {strides = array<i32>} : memref<1024x768xf32, #tpu.memory_space<vmem>>, vector<1024x768xf32>,
    } else {
    }
    return
  }
  func.func @transform_0(%arg0: i32, %arg1: memref<128xi32, #tpu.memory_space<smem>>) -> (i32, i32) {
    %c0_i32 = arith.constant 0 : i32
    %c0_i32_0 = arith.constant 0 : i32
    return %arg0, %c0_i32 : i32, i32
  }
  func.func @transform_1(%arg0: i32, %arg1: memref<128xi32, #tpu.memory_space<smem>>) -> (i32, i32, i32) {
    %get3A = arith.index_cast %arg0 : i32 to index
    %get3A_0 = memref.load %arg1[%get3A] : memref<128xi32, #tpu.memory_space<smem>>
    %c0_i32 = arith.constant 0 : i32
    %c0_i32_1 = arith.constant 0 : i32
    %c0_i32_2 = arith.constant 0 : i32
    return %get3A_0, %c0_i32, %c0_i32_1 : i32, i32, i32
  }
  func.func @transform_2(%arg0: i32, %arg1: memref<128xi32, #tpu.memory_space<smem>>) -> (i32, i32, i32) {
    %get3A = arith.index_cast %arg0 : i32 to index
    %get3A_0 = memref.load %arg1[%get3A] : memref<128xi32, #tpu.memory_space<smem>>
    %c0_i32 = arith.constant 0 : i32
    %c0_i32_1 = arith.constant 0 : i32
    %c0_i32_2 = arith.constant 0 : i32
    return %get3A_0, %c0_i32, %c0_i32_1 : i32, i32, i32
  }
  func.func @transform_3(%arg0: i32, %arg1: memref<128xi32, #tpu.memory_space<smem>>) -> (i32, i32, i32) {
    %get3A = arith.index_cast %arg0 : i32 to index
    %get3A_0 = memref.load %arg1[%get3A] : memref<128xi32, #tpu.memory_space<smem>>
    %c0_i32 = arith.constant 0 : i32
    %c0_i32_1 = arith.constant 0 : i32
    %c0_i32_2 = arith.constant 0 : i32
    return %get3A_0, %c0_i32, %c0_i32_1 : i32, i32, i32
  }
  func.func @transform_4(%arg0: i32, %arg1: memref<128xi32, #tpu.memory_space<smem>>) -> (i32, i32, i32) {
    %get3A = arith.index_cast %arg0 : i32 to index
    %get3A_0 = memref.load %arg1[%get3A] : memref<128xi32, #tpu.memory_space<smem>>
    %c0_i32 = arith.constant 0 : i32
    %c0_i32_1 = arith.constant 0 : i32
    %c0_i32_2 = arith.constant 0 : i32
    return %get3A_0, %c0_i32, %c0_i32_1 : i32, i32, i32
  }
  func.func @transform_5(%arg0: i32, %arg1: memref<128xi32, #tpu.memory_space<smem>>) -> (i32, i32) {
    %c0_i32 = arith.constant 0 : i32
    %c0_i32_0 = arith.constant 0 : i32
    return %arg0, %c0_i32 : i32, i32
  }
}

</mosaic_0001>

<sc_bundles>
// kernel: kernel.6.cloned.1.call-start
scs
__scs_entry_jumppad:
0x0: {  	(pc) =	sbr.rel $0x88, $3  }
0x1: {  	(tag) =	ssettag $0x0;
	lr =	simm.s32 $0x1  }
0x2: {  	[smem:$0x3F99] =	sst lr;
	_ =	strace $0xD0000000  }
0x3: {  	_ = 	snop  }
0x4: {  	_ = 	snop  }
0x5: {  	_ = 	snop  }
0x6: {  	_ = 	snop  }
0x7: {  	_ = 	snop  }
__scs_overlays_trampoline_lowered:
0x8: {  	[smem:$0x3FA8] =	sst s0  }
0x9: {  	[smem:$0x3FA9] =	sst s1  }
0xa: {  	[smem:$0x3FAA] =	sst s2  }
0xb: {  	[smem:$0x3FAB] =	sst s3  }
0xc: {  	[smem:$0x3FAC] =	sst s4  }
0xd: {  	[smem:$0x3FAD] =	sst s5  }
0xe: {  	[smem:$0x3FAE] =	sst s6  }
0xf: {  	[smem:$0x3FAF] =	sst s7  }
0x10: {  	[smem:$0x3FB0] =	sst s8  }
0x11: {  	[smem:$0x3FB1] =	sst s9;
	s0 =	simm.s32 @!p0 $0x0  }
0x12: {  	s1 =	sld [smem:$0x3F97];
	s0 =	simm.s32 @p0 $0x1  }
0x13: {  	[smem:$0x3FB2] =	sst s0;
	s0 =	simm.s32 @!p1 $0x0  }
0x14: {  	s2 =	sld [smem:$0x3F96];
	s0 =	simm.s32 @p1 $0x1  }
0x15: {  	[smem:$0x3FB3] =	sst s0;
	s0 =	simm.s32 @!p2 $0x0  }
0x16: {  	s3 =	sld [smem:$0x3FDB];
	s0 =	simm.s32 @p2 $0x1  }
0x17: {  	s4 =	simm.s32 $0x1BF5;
	[smem:$0x3FB5] =	sst s0  }
0x18: {  	s0 =	sld [smem:$0x3F98];
	_ =	swait.ge [sflag:s4], $0x0  }
0x19: {  	s7 =	sld [smem:$0x3F99]  }
0x1a: {  	s8 =	sadd.s32 $0xFFFFE003, lr  }
0x1b: {  	s9 =	sadd.s32 $0xFFFFFEF7, lr;
	s5 =	simm.s32 $0xFFFFFFFF;
	p2 =	slt.u32 s8, $0xFFFFF086  }
0x1c: {  	p1 =	slt.u32 s9, $0xF7A;
	s5 =	simm.s32 @!p2 $0x0  }
0x1d: {  	s5 =	simm.s32 @p1 $0x1;
	p0 =	seq.s32 s7, s2  }
0x1e: {  	s7 =	smul.u32 @!p0 $0xF7A, s2;
	p2 =	seq.s32 @!p0 s5, $0x0  }
0x1f: {  	s9 =	smul.u32 $0xF7A, s1;
	s8 =	simm.s32 @!p0 $0x1BF5;
	p2 =	por !p2, p0  }
0x20: {  	[sflag:s8] =	ssyncset.s32 @!p0 $0xFFFFF086;
	s6 =	sadd.s32 @!p0 s3, s7;
	s7 =	simm.s32 @!p0 $0x108  }
0x21: {  	s3 =	sadd.s32 s3, s9;
	s6 =	sadd.s32 @!p0 $0x88, s6;
	s7 =	simm.s32 @p2 $0x1082  }
0x22: {  	[simem:s7], [sflag:s8] =	dma.local @!p0 [hbm:s6], $0xF7A  }
0x23: {  	s9 =	sor.u32 $0xD0000000, s2;
	s6 =	simm.s32 $0x108;
	_ =	swait.ge @!p0 [sflag:s8], $0x0  }
0x24: {  	s3 =	sadd.s32 $0x88, s3;
	s6 =	simm.s32 @!p1 $0x1082;
	[sflag:s4] =	ssyncset.s32 $0xFFFFF086  }
0x25: {  	[simem:s6], [sflag:s4] =	dma.local [hbm:s3], $0xF7A  }
0x26: {  	[smem:$0x3F99] =	sst s1;
	(tag) =	ssettag s2;
	_ =	strace s9  }
0x27: {  	s1 =	sld [smem:$0x3FA9]  }
0x28: {  	s2 =	sld [smem:$0x3FAA]  }
0x29: {  	s4 =	sld [smem:$0x3FAC]  }
0x2a: {  	p0 =	seq.s32 s5, $0x0;
	s5 =	sld [smem:$0x3FAD]  }
0x2b: {  	s6 =	sld [smem:$0x3FAE]  }
0x2c: {  	s7 =	sld [smem:$0x3FAF]  }
0x2d: {  	s3 =	simm.s32 $0x108;
	s8 =	sld [smem:$0x3FB0]  }
0x2e: {  	s3 =	simm.s32 @!p0 $0x1082;
	s9 =	sld [smem:$0x3FB1]  }
0x2f: {  	lr =	sadd.s32 s0, s3;
	s0 =	sld [smem:$0x3FA8]  }
0x30: {  	s3 =	sld [smem:$0x3FAB]  }
0x31: {  	[smem:$0x3FB4] =	sst s10  }
0x32: {  	s10 =	sld [smem:$0x3FB2];
	_ =	sdelay $0x3  }
0x33: {  	p0 =	seq.s32 s10, $0x1;
	s10 =	sld [smem:$0x3FB4];
	_ =	sdelay $0x3  }
0x34: {  	[smem:$0x3FB4] =	sst s10  }
0x35: {  	s10 =	sld [smem:$0x3FB3];
	_ =	sdelay $0x3  }
0x36: {  	p1 =	seq.s32 s10, $0x1;
	s10 =	sld [smem:$0x3FB4];
	_ =	sdelay $0x3  }
0x37: {  	[smem:$0x3FB4] =	sst s10  }
0x38: {  	s10 =	sld [smem:$0x3FB5]  }
0x39: {  	_ = 	snop;
	(pc) =	sbr.ind lr, $3  }
0x3a: {  	_ = 	snop  }
0x3b: {  	_ = 	snop  }
0x3c: {  	p2 =	seq.s32 s10, $0x1;
	s10 =	sld [smem:$0x3FB4]  }
0x3d: {  	_ =	shalt  }
0x3e: {  	_ =	shalt  }
0x3f: {  	_ =	shalt  }
0x40: {  	_ =	shalt  }
0x41: {  	_ =	shalt  }
0x42: {  	_ =	shalt  }
0x43: {  	_ =	shalt  }
0x44: {  	_ =	shalt  }
0x45: {  	_ =	shalt  }
0x46: {  	_ =	shalt  }
0x47: {  	_ =	shalt  }
0x48: {  	_ =	shalt  }
0x49: {  	_ =	shalt  }
0x4a: {  	_ =	shalt  }
0x4b: {  	_ =	shalt  }
0x4c: {  	_ =	shalt  }
0x4d: {  	_ =	shalt  }
0x4e: {  	_ =	shalt  }
0x4f: {  	_ =	shalt  }
0x50: {  	_ =	shalt  }
0x51: {  	_ =	shalt  }
0x52: {  	_ =	shalt  }
0x53: {  	_ =	shalt  }
0x54: {  	_ =	shalt  }
0x55: {  	_ =	shalt  }
0x56: {  	_ =	shalt  }
0x57: {  	_ =	shalt  }
0x58: {  	_ =	shalt  }
0x59: {  	_ =	shalt  }
0x5a: {  	_ =	shalt  }
0x5b: {  	_ =	shalt  }
0x5c: {  	_ =	shalt  }
0x5d: {  	_ =	shalt  }
0x5e: {  	_ =	shalt  }
0x5f: {  	_ =	shalt  }
0x60: {  	_ =	shalt  }
0x61: {  	_ =	shalt  }
0x62: {  	_ =	shalt  }
0x63: {  	_ =	shalt  }
0x64: {  	_ =	shalt  }
0x65: {  	_ =	shalt  }
0x66: {  	_ =	shalt  }
0x67: {  	_ =	shalt  }
0x68: {  	_ =	shalt  }
0x69: {  	_ =	shalt  }
0x6a: {  	_ =	shalt  }
0x6b: {  	_ =	shalt  }
0x6c: {  	_ =	shalt  }
0x6d: {  	_ =	shalt  }
0x6e: {  	_ =	shalt  }
0x6f: {  	_ =	shalt  }
0x70: {  	_ =	shalt  }
0x71: {  	_ =	shalt  }
0x72: {  	_ =	shalt  }
0x73: {  	_ =	shalt  }
0x74: {  	_ =	shalt  }
0x75: {  	_ =	shalt  }
0x76: {  	_ =	shalt  }
0x77: {  	_ =	shalt  }
0x78: {  	_ =	shalt  }
0x79: {  	_ =	shalt  }
0x7a: {  	_ =	shalt  }
0x7b: {  	_ =	shalt  }
0x7c: {  	_ =	shalt  }
0x7d: {  	_ =	shalt  }
0x7e: {  	_ =	shalt  }
0x7f: {  	_ =	shalt  }
0x80: {  	_ =	shalt  }
0x81: {  	_ =	shalt  }
0x82: {  	_ =	shalt  }
0x83: {  	_ =	shalt  }
0x84: {  	_ =	shalt  }
0x85: {  	_ =	shalt  }
0x86: {  	_ =	shalt  }
0x87: {  	_ =	shalt  }
.Lfunc_end0:
.L_simem_size_0:
called_computation_lowered:
.L_overlay_start_0:
0x88: {  	s2 =	sld [smem:$0x3FD9]  }
0x89: {  	s3 =	sld [smem:$0x3FFE];
	_ =	sdelay $0x1  }
0x8a: {  	s1 =	srdreg.scid  }
0x8b: {  	s0 =	sand.u32 $0x1, s1  }
0x8c: {  	s17 =	sshll.u32 s0, $0xA;
	s2 =	sadd.s32 s3, s2  }
0x8d: {  	s2 =	sadd.s32 s2, s17  }
0x8e: {  	[smem:$0x3FC0] =	sst s2  }
0x8f: {  	_ = 	snop  }
0x90: {  	s2 =	sld [smem:$0x3FC9]  }
0x91: {  	s18 =	sld [smem:$0x3FD0];
	(tm) =	ssettm $0x1  }
0x92: {  	s4 =	sld [smem:$0x3FFB];
	_ =	sdelay $0x3  }
0x93: {  	_ =	strace s4  }
0x94: {  	s4 =	sld [smem:$0x3FFC];
	_ =	sdelay $0x3  }
0x95: {  	_ =	strace s4  }
0x96: {  	s4 =	sld [smem:$0x3FFD];
	_ =	sdelay $0x3  }
0x97: {  	_ =	strace s4  }
0x98: {  	_ =	strace $0x8FFFFFFF  }
0x99: {  	s19 =	sld [smem:$0x3FDB];
	_ =	sdelay $0x1  }
0x9a: {  	s5 =	simm.s32 $_scs_section_size  }
0x9b: {  	s6 =	simm.s32 $_size__tile_overlayer_lowered;
	s7 =	simm.s32 $_tile_overlayer_lowered  }
0x9c: {  	s22 =	simm.s32 $0x1BFF;
	s21 =	sshll.u32 s7, $0x1;
	s4 =	sadd.s32 s5, s19  }
0x9d: {  	s8 =	simm.s32 $0x0;
	s20 =	sshll.u32 s6, $0x1;
	s6 =	sadd.s32 s21, s4  }
0x9e: {  	[timem:s8], [sflag:s22] =	dma.local [hbm:s6], s20  }
0x9f: {  	_ =	swait.ge [sflag:s22], s20  }
0xa0: {  	s5 =	ssub.s32 $0x0, s20;
	[sflag:s22] =	ssyncset.done $0x0  }
0xa1: {  	[sflag:s22] =	ssyncadd.s32 s5;
	_ =	sdelay $0x1  }
0xa2: {  	s23 =	simm.s32 $0x1B8B  }
0xa3: {  	_ =	swait.ge [sflag:s23], $0x1  }
0xa4: {  	[sflag:s23] =	ssyncset.done $0x0  }
0xa5: {  	s25 =	simm.s32 $0x1B8E;
	s24 =	sld [smem:$0x3FFE];
	[sflag:s23] =	ssyncadd.s32 $0xFFFFFFFF  }
0xa6: {  	s26 =	simm.s32 $execute0_lowered;
	[smem:$0x3FD2] =	sst s25  }
0xa7: {  	s6 =	sshll.u32 s26, $0x1;
	_ =	strace $0x80000046;
	[dreg:$0x1] =	wrdreg $0xFFFFFFFF  }
0xa8: {  	s28 =	simm.s32 $_size_execute0_lowered;
	s4 =	sadd.s32 s4, s6;
	[dreg:$0x0] =	wrdreg $0x0  }
0xa9: {  	s6 =	sshll.u32 s28, $0x1;
	[dreg:$0x2] =	wrdreg s4  }
0xaa: {  	[dreg:$0x3] =	wrdreg s6  }
0xab: {  	[dreg:$0x4] =	wrdreg $0xC0  }
0xac: {  	_ =	task [dreg:s8], $0x5FFFF  }
0xad: {  	[dreg:$0x1] =	wrdreg $0xFFFFFFFF  }
0xae: {  	[dreg:$0x0] =	wrdreg $0x60  }
0xaf: {  	[dreg:$0x2] =	wrdreg s2  }
0xb0: {  	[dreg:$0x3] =	wrdreg s18  }
0xb1: {  	[dreg:$0x4] =	wrdreg s24  }
0xb2: {  	[dreg:$0x5] =	wrdreg $0x9  }
0xb3: {  	_ =	task.clear_ibuf [dreg:s8], $0x6FFFF;
	_ =	strace $0x90000046  }
0xb4: {  	s29 =	simm.s32 $0x9;
	_ =	strace $0x80000048  }
0xb5: {  	_ =	swait.ge [sflag:s29], $0x1  }
0xb6: {  	[sflag:s29] =	ssyncadd.s32 $0xFFFFFFFF  }
0xb7: {  	_ =	strace $0x90000048  }
0xb8: {  	_ =	sfence  }
0xb9: {  	s30 =	sld [smem:$0x0];
	_ =	sdelay $0x2  }
0xba: {  	s31 =	sshll.u32 s1, $0xD;
	s1 =	sshrl.u32 s1, $0x2  }
0xbb: {  	s3 =	sand.u32 $0x4000, s31;
	s1 =	sadd.s32 s1, s30  }
0xbc: {  	s0 =	sor.u32 s3, s0;
	s1 =	sshll.u32 s1, $0x11  }
0xbd: {  	s0 =	sor.u32 s1, s0  }
0xbe: {  	s0 =	sadd.s32 $0x8F2B, s0  }
0xbf: {  	[sflag:s0] =	ssyncadd.remote.s32 $0x1  }
0xc0: {  	_ =	sfence.sel $0xFFFF  }
0xc1: {  	[dreg:$0x0] =	wrdreg $0xFFFFFFFF;
	(pc) =	sbr.abs _section_cstart, $3  }
0xc2: {  	[dreg:$0x1] =	wrdreg $0xFFFFFFFF  }
0xc3: {  	_ =	task.clear_ibuf [dreg:s8], $0x2FFFF;
	_ =	strace $0x9FFFFFFF  }
0xc4: {  	(tm) =	ssettm $0x7FFFFFFF  }
0xc5: {  	_ =	shalt  }
tec
execute0_lowered:
.L_overlay_start_1:
0x0: {  	(tag) =	ssettag $0x1  }
0x1: {  	s3 =	rddreg [dreg:$0x0]  }
0x2: {  	s1 =	srdreg.scid;
	s4 =	rddreg [dreg:$0x1]  }
0x3: {  	s2 =	simm.s32 $0x0;
	s5 =	sand.u32 $0x1, s1;
	s1 =	rddreg [dreg:$0x2]  }
0x4: {  	s21 =	simm.s32 $0x80;
	[smem:$0x7FF] =	sst s2  }
0x5: {  	s22 =	simm.s32 $0x180;
	_ =	strace $0x80000047;
	[dreg:$0x9] =	wrdreg s21  }
0x6: {  	s23 =	simm.s32 $0xA00;
	[dreg:$0xa] =	wrdreg s22  }
0x7: {  	s24 =	simm.s32 $0x1200;
	[dreg:$0xb] =	wrdreg s23  }
0x8: {  	s25 =	simm.s32 $0x1A00;
	[dreg:$0xc] =	wrdreg s24  }
0x9: {  	s0 =	stileid.u32;
	s26 =	simm.s32 $0x2200;
	[dreg:$0xd] =	wrdreg s25  }
0xa: {  	s6 =	sshll.u32 s0, $0x5;
	s0 =	simm.s32 $0x2A00;
	[dreg:$0xe] =	wrdreg s26  }
0xb: {  	s9 =	simm.s32 $0x5200;
	[dreg:$0xf] =	wrdreg s0  }
0xc: {  	s10 =	simm.s32 $0x5A00;
	[dreg:$0x14] =	wrdreg s9  }
0xd: {  	s11 =	simm.s32 $0x6200;
	s12 =	simm.s32 $0x6A00;
	[dreg:$0x15] =	wrdreg s10  }
0xe: {  	s13 =	simm.s32 $0x7200;
	s14 =	simm.s32 $0x7A00;
	[dreg:$0x16] =	wrdreg s11  }
0xf: {  	s15 =	simm.s32 $0x8200;
	s16 =	simm.s32 $0x8A00;
	[dreg:$0x17] =	wrdreg s12  }
0x10: {  	s28 =	simm.s32 $0x15A00;
	s29 =	simm.s32 $0x16200;
	[dreg:$0x18] =	wrdreg s13  }
0x11: {  	s30 =	simm.s32 $0x16A00;
	s31 =	simm.s32 $0x17200;
	[dreg:$0x19] =	wrdreg s14  }
0x12: {  	s7 =	sshll.u32 s5, $0x4;
	s8 =	sadd.s32 $0x2000, s1;
	[dreg:$0x1a] =	wrdreg s15  }
0x13: {  	[dreg:$0x1b] =	wrdreg s16;
	s5 =	ssub.s32 $0x2, s5;
	s21 =	simm.s32 $0xAA00  }
0x14: {  	s22 =	simm.s32 $0xB200;
	s23 =	simm.s32 $0xBA00;
	[dreg:$0x4] =	wrdreg s8  }
0x15: {  	s24 =	simm.s32 $0xC200;
	s25 =	simm.s32 $0xCA00;
	[dreg:$0x1f] =	wrdreg s21  }
0x16: {  	s26 =	simm.s32 $0xD200;
	s9 =	simm.s32 $0x100;
	[smem:$0x7F9] =	sst s22  }
0x17: {  	s10 =	simm.s32 $0x1;
	s12 =	simm.s32 $0xE200;
	[smem:$0x7FA] =	sst s23  }
0x18: {  	s13 =	simm.s32 $0xEA00;
	s14 =	simm.s32 $0xF200;
	[smem:$0x7FB] =	sst s24  }
0x19: {  	s15 =	simm.s32 $0xFA00;
	s16 =	simm.s32 $0x10200;
	[smem:$0x7FC] =	sst s25  }
0x1a: {  	s6 =	sor.u32 s7, s6;
	s8 =	simm.s32 $0x4A00;
	[smem:$0x7FD] =	sst s26  }
0x1b: {  	s21 =	simm.s32 $0x12A00;
	s22 =	simm.s32 $0x13200;
	s23 =	simm.s32 $0x13A00  }
0x1c: {  	s24 =	simm.s32 $0x14200;
	s18 =	sadd.s32 s4, s6;
	[dreg:$0x13] =	wrdreg s8  }
0x1d: {  	s7 =	smul.u32 $0x300, s6;
	s4 =	simm.s32 $0x3200;
	[dreg:$0x6] =	wrdreg s18  }
0x1e: {  	s17 =	sadd.s32 s6, s1;
	s6 =	simm.s32 $0x3A00;
	[dreg:$0x10] =	wrdreg s4  }
0x1f: {  	s25 =	simm.s32 $0x14A00;
	s19 =	sadd.s32 $0x1E00, s17;
	[dreg:$0x11] =	wrdreg s6  }
0x20: {  	s26 =	simm.s32 $0x15200;
	s20 =	sadd.s32 $0x122200, s17;
	[dreg:$0x7] =	wrdreg s19  }
0x21: {  	s8 =	simm.s32 $0x2;
	s17 =	simm.s32 $0x9200;
	[dreg:$0x8] =	wrdreg s20  }
0x22: {  	s18 =	simm.s32 $0x9A00;
	s4 =	sadd.s32 $0x2300, s1;
	[dreg:$0x1c] =	wrdreg s17  }
0x23: {  	s3 =	sadd.s32 s3, s7;
	s7 =	simm.s32 $0x4200;
	[dreg:$0x1d] =	wrdreg s18  }
0x24: {  	s19 =	sshrl.u32 s5, $0x1;
	s20 =	simm.s32 $0xA200;
	[dreg:$0x5] =	wrdreg s3  }
0x25: {  	s17 =	simm.s32 $0x10A00;
	s18 =	simm.s32 $0x11200;
	[dreg:$0x12] =	wrdreg s7  }
0x26: {  	v2 =	vlaneseq.u32;
	s3 =	sadd.s32 $0x2200, s1;
	s6 =	ssub.s32 s5, s19;
	[dreg:$0x1e] =	wrdreg s20  }
0x27: {  	vm0 =	vmmov $0xffff;
	v1 =	vshrl.u32 v2, $0x3;
	s5 =	sadd.s32 $0x2400, s1;
	s7 =	simm.s32 $0x200;
	s19 =	simm.s32 $0x11A00  }
0x28: {  	v0 =	vand.u32 $0x7, v2;
	v2 =	vor.u32 $0x8, v2;
	v1 =	vmul.u32 $0x8, v1;
	s20 =	simm.s32 $0x12200;
	s1 =	simm.s32 $0x17A00;
	s6 =	smax.u32 s6, $0x1  }
.LBB2_1:
0x29: {  	s0 =	rddreg [dreg:$0x5]  }
0x2a: {  	[tilespmem:s7], [sflag:$0x1] =	stream.linear.gather [hbm4b:s0+s2], $0x18000, $0x38;
	[tilespmem:$0x18200] =	vst v63  }
0x2b: {  	s11 =	rddreg [dreg:$0x6]  }
0x2c: {  	[tilespmem:s2], [sflag:$0x2] =	stream.linear.gather [hbm4b:s11+s2], $0x80, $0x38;
	[tilespmem:$0x18200] =	vst v63  }
0x2d: {  	_ =	swait.ge [sflag:s8], $0x80  }
0x2e: {  	s0 =	rddreg [dreg:$0x7];
	[sflag:s8] =	ssyncset.done $0x0  }
0x2f: {  	s11 =	rddreg [dreg:$0x9];
	[sflag:s8] =	ssyncadd.s32 $0xFFFFFF80  }
0x30: {  	[tilespmem:s11], [sflag:$0x2] =	stream.linear.gather [hbm4b:s0+s2], $0x80, $0x38;
	[tilespmem:$0x18200] =	vst v63  }
0x31: {  	_ =	swait.ge [sflag:s8], $0x80  }
0x32: {  	[sflag:s8] =	ssyncset.done $0x0  }
0x33: {  	s11 =	rddreg [dreg:$0x4];
	[sflag:s8] =	ssyncadd.s32 $0xFFFFFF80  }
0x34: {  	[tilespmem:s9], [sflag:$0x2] =	stream.linear.gather [hbm4b:s11+s2], $0x80, $0x38;
	[tilespmem:$0x18200] =	vst v63  }
0x35: {  	_ =	swait.ge [sflag:s8], $0x80  }
0x36: {  	[sflag:s8] =	ssyncset.done $0x0  }
0x37: {  	[sflag:s8] =	ssyncadd.s32 $0xFFFFFF80  }
0x38: {  	v3 =	vld [tilespmem:$0x0];
	_ =	sdelay $0x5  }
0x39: {  	v4 =	vld [tilespmem:$0x80]  }
0x3a: {  	v5 =	vld [tilespmem:$0x10]  }
0x3b: {  	v3 =	vld.idx.msk [tilespmem:v3+s9+$0x0], $0xffff;
	_ =	sdelay $0x4  }
0x3c: {  	v47 =	vld [tilespmem:$0x90];
	v3 =	vadd.s32 v4, v3  }
0x3d: {  	[tilespmem:$0x180] =	vst v3;
	v3 =	vld [tilespmem:$0x20]  }
0x3e: {  	v5 =	vld.idx.msk [tilespmem:v5+s9+$0x0], $0xffff;
	_ =	sdelay $0x4  }
0x3f: {  	v48 =	vld [tilespmem:$0xA0];
	v4 =	vadd.s32 v47, v5  }
0x40: {  	v49 =	vld [tilespmem:$0x30];
	[tilespmem:$0x190] =	vst v4  }
0x41: {  	v3 =	vld.idx.msk [tilespmem:v3+s9+$0x0], $0xffff;
	_ =	sdelay $0x4  }
0x42: {  	v50 =	vld [tilespmem:$0xB0];
	v3 =	vadd.s32 v48, v3  }
0x43: {  	[tilespmem:$0x1A0] =	vst v3;
	v3 =	vld [tilespmem:$0x40]  }
0x44: {  	v4 =	vld.idx.msk [tilespmem:v49+s9+$0x0], $0xffff;
	_ =	sdelay $0x4  }
0x45: {  	v51 =	vld [tilespmem:$0xC0];
	v4 =	vadd.s32 v50, v4  }
0x46: {  	v52 =	vld [tilespmem:$0x50];
	[tilespmem:$0x1B0] =	vst v4  }
0x47: {  	v3 =	vld.idx.msk [tilespmem:v3+s9+$0x0], $0xffff;
	_ =	sdelay $0x4  }
0x48: {  	v53 =	vld [tilespmem:$0xD0];
	v3 =	vadd.s32 v51, v3  }
0x49: {  	[tilespmem:$0x1C0] =	vst v3;
	v3 =	vld [tilespmem:$0x60]  }
0x4a: {  	v4 =	vld.idx.msk [tilespmem:v52+s9+$0x0], $0xffff;
	_ =	sdelay $0x4  }
0x4b: {  	v54 =	vld [tilespmem:$0xE0];
	v4 =	vadd.s32 v53, v4  }
0x4c: {  	v55 =	vld [tilespmem:$0x70];
	[tilespmem:$0x1D0] =	vst v4  }
0x4d: {  	v3 =	vld.idx.msk [tilespmem:v3+s9+$0x0], $0xffff;
	_ =	sdelay $0x4  }
0x4e: {  	v3 =	vadd.s32 v54, v3  }
0x4f: {  	[tilespmem:$0x1E0] =	vst v3;
	v3 =	vld [tilespmem:$0xF0]  }
0x50: {  	v4 =	vld.idx.msk [tilespmem:v55+s9+$0x0], $0xffff;
	_ =	sdelay $0x4  }
0x51: {  	s0 =	rddreg [dreg:$0x8];
	v3 =	vadd.s32 v3, v4  }
0x52: {  	s11 =	rddreg [dreg:$0xa];
	[tilespmem:$0x1F0] =	vst v3  }
0x53: {  	[hbm4b:s0+s2] =	stream.linear.scatter [tilespmem:s11], [sflag:$0x2], $0x80, $0x38;
	[tilespmem:$0x18200] =	vst v63  }
0x54: {  	_ =	swait.ge [sflag:s8], $0x80  }
0x55: {  	[sflag:s8] =	ssyncset.done $0x0  }
0x56: {  	[sflag:s8] =	ssyncadd.s32 $0xFFFFFF80  }
0x57: {  	_ =	swait.ge [sflag:s10], $0x18000  }
0x58: {  	[sflag:s10] =	ssyncset.done $0x0  }
0x59: {  	[sflag:s10] =	ssyncadd.s32 $0xFFFE8000  }
0x5a: {  	v3 =	vld [tilespmem:$0x180];
	_ =	sdelay $0x4  }
0x5b: {  	v56 =	vshrl.u32 v3, $0x3  }
0x5c: {  	v4 =	vmul.u32 $0x30, v56  }
0x5d: {  	v3 =	vand.u32 $0x7, v3  }
0x5e: {  	v3 =	vor.u32 v3, v4  }
0x5f: {  	v4 =	vperm.xlane v3, v0;
	_ =	sdelay $0x1  }
0x60: {  	v4 =	vadd.s32 v1, v4;
	_ =	sdelay $0x3  }
0x61: {  	v3 =	vperm.xlane v3, v2  }
0x62: {  	[hbm4b:s3+s2] =	stream.indirect_vreg.scatter [tilespmem:s7], [sflag:$0x1], $0x80, v4, vm0, $0xb8;
	[tilespmem:$0x18200] =	vst v63  }
0x63: {  	s0 =	rddreg [dreg:$0xb];
	v3 =	vadd.s32 v1, v3  }
0x64: {  	[hbm4b:s4+s2] =	stream.indirect_vreg.scatter [tilespmem:s0], [sflag:$0x1], $0x80, v4, vm0, $0xb8;
	[tilespmem:$0x18200] =	vst v63  }
0x65: {  	s11 =	rddreg [dreg:$0xc]  }
0x66: {  	[hbm4b:s5+s2] =	stream.indirect_vreg.scatter [tilespmem:s11], [sflag:$0x1], $0x80, v4, vm0, $0xb8;
	[tilespmem:$0x18200] =	vst v63  }
0x67: {  	s0 =	rddreg [dreg:$0xd]  }
0x68: {  	[hbm4b:s3+s2] =	stream.indirect_vreg.scatter [tilespmem:s0], [sflag:$0x1], $0x80, v3, vm0, $0xb8;
	[tilespmem:$0x18200] =	vst v63  }
0x69: {  	s11 =	rddreg [dreg:$0xe]  }
0x6a: {  	[hbm4b:s4+s2] =	stream.indirect_vreg.scatter [tilespmem:s11], [sflag:$0x1], $0x80, v3, vm0, $0xb8;
	[tilespmem:$0x18200] =	vst v63  }
0x6b: {  	s0 =	rddreg [dreg:$0xf]  }
0x6c: {  	[hbm4b:s5+s2] =	stream.indirect_vreg.scatter [tilespmem:s0], [sflag:$0x1], $0x80, v3, vm0, $0xb8;
	[tilespmem:$0x18200] =	vst v63  }
0x6d: {  	v3 =	vld [tilespmem:$0x190];
	_ =	sdelay $0x4  }
0x6e: {  	v57 =	vshrl.u32 v3, $0x3  }
0x6f: {  	v4 =	vmul.u32 $0x30, v57  }
0x70: {  	v3 =	vand.u32 $0x7, v3  }
0x71: {  	v3 =	vor.u32 v3, v4  }
0x72: {  	v4 =	vperm.xlane v3, v0;
	_ =	sdelay $0x1  }
0x73: {  	v4 =	vadd.s32 v1, v4;
	_ =	sdelay $0x3  }
0x74: {  	s0 =	rddreg [dreg:$0x10];
	v3 =	vperm.xlane v3, v2  }
0x75: {  	[hbm4b:s3+s2] =	stream.indirect_vreg.scatter [tilespmem:s0], [sflag:$0x1], $0x80, v4, vm0, $0xb8;
	[tilespmem:$0x18200] =	vst v63  }
0x76: {  	s11 =	rddreg [dreg:$0x11];
	v3 =	vadd.s32 v1, v3  }
0x77: {  	[hbm4b:s4+s2] =	stream.indirect_vreg.scatter [tilespmem:s11], [sflag:$0x1], $0x80, v4, vm0, $0xb8;
	[tilespmem:$0x18200] =	vst v63  }
0x78: {  	s0 =	rddreg [dreg:$0x12]  }
0x79: {  	[hbm4b:s5+s2] =	stream.indirect_vreg.scatter [tilespmem:s0], [sflag:$0x1], $0x80, v4, vm0, $0xb8;
	[tilespmem:$0x18200] =	vst v63  }
0x7a: {  	s11 =	rddreg [dreg:$0x13]  }
0x7b: {  	[hbm4b:s3+s2] =	stream.indirect_vreg.scatter [tilespmem:s11], [sflag:$0x1], $0x80, v3, vm0, $0xb8;
	[tilespmem:$0x18200] =	vst v63  }
0x7c: {  	s0 =	rddreg [dreg:$0x14]  }
0x7d: {  	[hbm4b:s4+s2] =	stream.indirect_vreg.scatter [tilespmem:s0], [sflag:$0x1], $0x80, v3, vm0, $0xb8;
	[tilespmem:$0x18200] =	vst v63  }
0x7e: {  	s11 =	rddreg [dreg:$0x15]  }
0x7f: {  	[hbm4b:s5+s2] =	stream.indirect_vreg.scatter [tilespmem:s11], [sflag:$0x1], $0x80, v3, vm0, $0xb8;
	[tilespmem:$0x18200] =	vst v63  }
0x80: {  	v3 =	vld [tilespmem:$0x1A0];
	_ =	sdelay $0x4  }
0x81: {  	v58 =	vshrl.u32 v3, $0x3  }
0x82: {  	v4 =	vmul.u32 $0x30, v58  }
0x83: {  	v3 =	vand.u32 $0x7, v3  }
0x84: {  	v3 =	vor.u32 v3, v4  }
0x85: {  	v4 =	vperm.xlane v3, v0;
	_ =	sdelay $0x1  }
0x86: {  	v4 =	vadd.s32 v1, v4;
	_ =	sdelay $0x3  }
0x87: {  	s0 =	rddreg [dreg:$0x16];
	v3 =	vperm.xlane v3, v2  }
0x88: {  	[hbm4b:s3+s2] =	stream.indirect_vreg.scatter [tilespmem:s0], [sflag:$0x1], $0x80, v4, vm0, $0xb8;
	[tilespmem:$0x18200] =	vst v63  }
0x89: {  	s11 =	rddreg [dreg:$0x17];
	v3 =	vadd.s32 v1, v3  }
0x8a: {  	[hbm4b:s4+s2] =	stream.indirect_vreg.scatter [tilespmem:s11], [sflag:$0x1], $0x80, v4, vm0, $0xb8;
	[tilespmem:$0x18200] =	vst v63  }
0x8b: {  	s0 =	rddreg [dreg:$0x18]  }
0x8c: {  	[hbm4b:s5+s2] =	stream.indirect_vreg.scatter [tilespmem:s0], [sflag:$0x1], $0x80, v4, vm0, $0xb8;
	[tilespmem:$0x18200] =	vst v63  }
0x8d: {  	s11 =	rddreg [dreg:$0x19]  }
0x8e: {  	[hbm4b:s3+s2] =	stream.indirect_vreg.scatter [tilespmem:s11], [sflag:$0x1], $0x80, v3, vm0, $0xb8;
	[tilespmem:$0x18200] =	vst v63  }
0x8f: {  	s0 =	rddreg [dreg:$0x1a]  }
0x90: {  	[hbm4b:s4+s2] =	stream.indirect_vreg.scatter [tilespmem:s0], [sflag:$0x1], $0x80, v3, vm0, $0xb8;
	[tilespmem:$0x18200] =	vst v63  }
0x91: {  	s11 =	rddreg [dreg:$0x1b]  }
0x92: {  	[hbm4b:s5+s2] =	stream.indirect_vreg.scatter [tilespmem:s11], [sflag:$0x1], $0x80, v3, vm0, $0xb8;
	[tilespmem:$0x18200] =	vst v63  }
0x93: {  	v3 =	vld [tilespmem:$0x1B0];
	_ =	sdelay $0x4  }
0x94: {  	v59 =	vshrl.u32 v3, $0x3  }
0x95: {  	v4 =	vmul.u32 $0x30, v59  }
0x96: {  	v3 =	vand.u32 $0x7, v3  }
0x97: {  	v3 =	vor.u32 v3, v4  }
0x98: {  	v4 =	vperm.xlane v3, v0;
	_ =	sdelay $0x1  }
0x99: {  	v4 =	vadd.s32 v1, v4;
	_ =	sdelay $0x2  }
0x9a: {  	s0 =	rddreg [dreg:$0x1c]  }
0x9b: {  	s11 =	rddreg [dreg:$0x1d];
	v3 =	vperm.xlane v3, v2  }
0x9c: {  	[hbm4b:s3+s2] =	stream.indirect_vreg.scatter [tilespmem:s0], [sflag:$0x1], $0x80, v4, vm0, $0xb8;
	[tilespmem:$0x18200] =	vst v63  }
0x9d: {  	v3 =	vadd.s32 v1, v3;
	s0 =	rddreg [dreg:$0x1e]  }
0x9e: {  	[hbm4b:s4+s2] =	stream.indirect_vreg.scatter [tilespmem:s11], [sflag:$0x1], $0x80, v4, vm0, $0xb8;
	[tilespmem:$0x18200] =	vst v63  }
0x9f: {  	s11 =	rddreg [dreg:$0x1f]  }
0xa0: {  	[hbm4b:s5+s2] =	stream.indirect_vreg.scatter [tilespmem:s0], [sflag:$0x1], $0x80, v4, vm0, $0xb8;
	[tilespmem:$0x18200] =	vst v63  }
0xa1: {  	s0 =	sld [smem:$0x7F9]  }
0xa2: {  	[hbm4b:s3+s2] =	stream.indirect_vreg.scatter [tilespmem:s11], [sflag:$0x1], $0x80, v3, vm0, $0xb8;
	[tilespmem:$0x18200] =	vst v63  }
0xa3: {  	s11 =	sld [smem:$0x7FA]  }
0xa4: {  	[hbm4b:s4+s2] =	stream.indirect_vreg.scatter [tilespmem:s0], [sflag:$0x1], $0x80, v3, vm0, $0xb8;
	[tilespmem:$0x18200] =	vst v63  }
0xa5: {  	_ = 	snop  }
0xa6: {  	[hbm4b:s5+s2] =	stream.indirect_vreg.scatter [tilespmem:s11], [sflag:$0x1], $0x80, v3, vm0, $0xb8;
	[tilespmem:$0x18200] =	vst v63  }
0xa7: {  	v3 =	vld [tilespmem:$0x1C0];
	_ =	sdelay $0x4  }
0xa8: {  	v60 =	vshrl.u32 v3, $0x3  }
0xa9: {  	v4 =	vmul.u32 $0x30, v60  }
0xaa: {  	v3 =	vand.u32 $0x7, v3  }
0xab: {  	v3 =	vor.u32 v3, v4  }
0xac: {  	v4 =	vperm.xlane v3, v0;
	_ =	sdelay $0x1  }
0xad: {  	v4 =	vadd.s32 v1, v4;
	_ =	sdelay $0x1  }
0xae: {  	s0 =	sld [smem:$0x7FB];
	_ =	sdelay $0x1  }
0xaf: {  	s11 =	sld [smem:$0x7FC];
	v3 =	vperm.xlane v3, v2  }
0xb0: {  	[hbm4b:s3+s2] =	stream.indirect_vreg.scatter [tilespmem:s0], [sflag:$0x1], $0x80, v4, vm0, $0xb8;
	[tilespmem:$0x18200] =	vst v63  }
0xb1: {  	v3 =	vadd.s32 v1, v3;
	s0 =	sld [smem:$0x7FD]  }
0xb2: {  	[hbm4b:s4+s2] =	stream.indirect_vreg.scatter [tilespmem:s11], [sflag:$0x1], $0x80, v4, vm0, $0xb8;
	[tilespmem:$0x18200] =	vst v63  }
0xb3: {  	_ = 	snop  }
0xb4: {  	[hbm4b:s5+s2] =	stream.indirect_vreg.scatter [tilespmem:s0], [sflag:$0x1], $0x80, v4, vm0, $0xb8;
	[tilespmem:$0x18200] =	vst v63  }
0xb5: {  	s11 =	simm.s32 $0xDA00  }
0xb6: {  	[hbm4b:s3+s2] =	stream.indirect_vreg.scatter [tilespmem:s11], [sflag:$0x1], $0x80, v3, vm0, $0xb8;
	[tilespmem:$0x18200] =	vst v63  }
0xb7: {  	_ = 	snop  }
0xb8: {  	[hbm4b:s4+s2] =	stream.indirect_vreg.scatter [tilespmem:s12], [sflag:$0x1], $0x80, v3, vm0, $0xb8;
	[tilespmem:$0x18200] =	vst v63  }
0xb9: {  	_ = 	snop  }
0xba: {  	[hbm4b:s5+s2] =	stream.indirect_vreg.scatter [tilespmem:s13], [sflag:$0x1], $0x80, v3, vm0, $0xb8;
	[tilespmem:$0x18200] =	vst v63  }
0xbb: {  	v3 =	vld [tilespmem:$0x1D0];
	_ =	sdelay $0x4  }
0xbc: {  	v61 =	vshrl.u32 v3, $0x3  }
0xbd: {  	v4 =	vmul.u32 $0x30, v61  }
0xbe: {  	v3 =	vand.u32 $0x7, v3  }
0xbf: {  	v3 =	vor.u32 v3, v4  }
0xc0: {  	v4 =	vperm.xlane v3, v0;
	_ =	sdelay $0x1  }
0xc1: {  	v4 =	vadd.s32 v1, v4;
	_ =	sdelay $0x3  }
0xc2: {  	v3 =	vperm.xlane v3, v2  }
0xc3: {  	[hbm4b:s3+s2] =	stream.indirect_vreg.scatter [tilespmem:s14], [sflag:$0x1], $0x80, v4, vm0, $0xb8;
	[tilespmem:$0x18200] =	vst v63  }
0xc4: {  	v3 =	vadd.s32 v1, v3  }
0xc5: {  	[hbm4b:s4+s2] =	stream.indirect_vreg.scatter [tilespmem:s15], [sflag:$0x1], $0x80, v4, vm0, $0xb8;
	[tilespmem:$0x18200] =	vst v63  }
0xc6: {  	_ = 	snop  }
0xc7: {  	[hbm4b:s5+s2] =	stream.indirect_vreg.scatter [tilespmem:s16], [sflag:$0x1], $0x80, v4, vm0, $0xb8;
	[tilespmem:$0x18200] =	vst v63  }
0xc8: {  	_ = 	snop  }
0xc9: {  	[hbm4b:s3+s2] =	stream.indirect_vreg.scatter [tilespmem:s17], [sflag:$0x1], $0x80, v3, vm0, $0xb8;
	[tilespmem:$0x18200] =	vst v63  }
0xca: {  	_ = 	snop  }
0xcb: {  	[hbm4b:s4+s2] =	stream.indirect_vreg.scatter [tilespmem:s18], [sflag:$0x1], $0x80, v3, vm0, $0xb8;
	[tilespmem:$0x18200] =	vst v63  }
0xcc: {  	_ = 	snop  }
0xcd: {  	[hbm4b:s5+s2] =	stream.indirect_vreg.scatter [tilespmem:s19], [sflag:$0x1], $0x80, v3, vm0, $0xb8;
	[tilespmem:$0x18200] =	vst v63  }
0xce: {  	v3 =	vld [tilespmem:$0x1E0];
	_ =	sdelay $0x4  }
0xcf: {  	v62 =	vshrl.u32 v3, $0x3  }
0xd0: {  	v4 =	vmul.u32 $0x30, v62  }
0xd1: {  	v3 =	vand.u32 $0x7, v3  }
0xd2: {  	v3 =	vor.u32 v3, v4  }
0xd3: {  	v4 =	vperm.xlane v3, v0;
	_ =	sdelay $0x1  }
0xd4: {  	v4 =	vadd.s32 v1, v4;
	_ =	sdelay $0x3  }
0xd5: {  	v3 =	vperm.xlane v3, v2  }
0xd6: {  	[hbm4b:s3+s2] =	stream.indirect_vreg.scatter [tilespmem:s20], [sflag:$0x1], $0x80, v4, vm0, $0xb8;
	[tilespmem:$0x18200] =	vst v63  }
0xd7: {  	v3 =	vadd.s32 v1, v3  }
0xd8: {  	[hbm4b:s4+s2] =	stream.indirect_vreg.scatter [tilespmem:s21], [sflag:$0x1], $0x80, v4, vm0, $0xb8;
	[tilespmem:$0x18200] =	vst v63  }
0xd9: {  	_ = 	snop  }
0xda: {  	[hbm4b:s5+s2] =	stream.indirect_vreg.scatter [tilespmem:s22], [sflag:$0x1], $0x80, v4, vm0, $0xb8;
	[tilespmem:$0x18200] =	vst v63  }
0xdb: {  	_ = 	snop  }
0xdc: {  	[hbm4b:s3+s2] =	stream.indirect_vreg.scatter [tilespmem:s23], [sflag:$0x1], $0x80, v3, vm0, $0xb8;
	[tilespmem:$0x18200] =	vst v63  }
0xdd: {  	_ = 	snop  }
0xde: {  	[hbm4b:s4+s2] =	stream.indirect_vreg.scatter [tilespmem:s24], [sflag:$0x1], $0x80, v3, vm0, $0xb8;
	[tilespmem:$0x18200] =	vst v63  }
0xdf: {  	_ = 	snop  }
0xe0: {  	[hbm4b:s5+s2] =	stream.indirect_vreg.scatter [tilespmem:s25], [sflag:$0x1], $0x80, v3, vm0, $0xb8;
	[tilespmem:$0x18200] =	vst v63  }
0xe1: {  	v3 =	vld [tilespmem:$0x1F0];
	_ =	sdelay $0x4  }
0xe2: {  	v63 =	vshrl.u32 v3, $0x3  }
0xe3: {  	v4 =	vmul.u32 $0x30, v63  }
0xe4: {  	v3 =	vand.u32 $0x7, v3  }
0xe5: {  	v3 =	vor.u32 v3, v4  }
0xe6: {  	v4 =	vperm.xlane v3, v0;
	_ =	sdelay $0x1  }
0xe7: {  	v4 =	vadd.s32 v1, v4;
	_ =	sdelay $0x3  }
0xe8: {  	v3 =	vperm.xlane v3, v2  }
0xe9: {  	[hbm4b:s3+s2] =	stream.indirect_vreg.scatter [tilespmem:s26], [sflag:$0x1], $0x80, v4, vm0, $0xb8;
	[tilespmem:$0x18200] =	vst v63  }
0xea: {  	v3 =	vadd.s32 v1, v3  }
0xeb: {  	[hbm4b:s4+s2] =	stream.indirect_vreg.scatter [tilespmem:s28], [sflag:$0x1], $0x80, v4, vm0, $0xb8;
	[tilespmem:$0x18200] =	vst v63  }
0xec: {  	_ = 	snop  }
0xed: {  	[hbm4b:s5+s2] =	stream.indirect_vreg.scatter [tilespmem:s29], [sflag:$0x1], $0x80, v4, vm0, $0xb8;
	[tilespmem:$0x18200] =	vst v63  }
0xee: {  	_ = 	snop  }
0xef: {  	[hbm4b:s3+s2] =	stream.indirect_vreg.scatter [tilespmem:s30], [sflag:$0x1], $0x80, v3, vm0, $0xb8;
	[tilespmem:$0x18200] =	vst v63  }
0xf0: {  	p0 =	sne.s32 s6, $0x1  }
0xf1: {  	[hbm4b:s4+s2] =	stream.indirect_vreg.scatter [tilespmem:s31], [sflag:$0x1], $0x80, v3, vm0, $0xb8;
	[tilespmem:$0x18200] =	vst v63  }
.Ltmp0:
0xf2: {  	_ = 	snop;
	(pc) =	sbr.rel @p0 .LBB2_1-.Ltmp0, $4  }
0xf3: {  	[hbm4b:s5+s2] =	stream.indirect_vreg.scatter [tilespmem:s1], [sflag:$0x1], $0x80, v3, vm0, $0xb8;
	[tilespmem:$0x18200] =	vst v63  }
0xf4: {  	_ =	swait.ge [sflag:s10], $0x18000  }
0xf5: {  	[sflag:s10] =	ssyncset.done $0x0  }
0xf6: {  	s6 =	sadd.s32 $0xFFFFFFFF, s6;
	[sflag:s10] =	ssyncadd.s32 $0xFFFE8000  }
0xf7: {  	_ =	sfence.sel $0x180000  }
0xf8: {  	[bflag:$0x0] =	sbarrier.arrive $0xFFFF  }
0xf9: {  	_ =	strace $0x90000047  }
0xfa: {  	s0 =	stileid.u32;
	[bflag:$0x2] =	sbarrier.arrive $0xFFFF  }
0xfb: {  	p0 =	sne.s32 s0, $0x0;
	s0 =	rddreg [dreg:$0x3]  }
0xfc: {  	s0 =	sadd.s32 @!p0 $0x100000, s0  }
0xfd: {  	[sflag:s0] =	ssyncadd.tile.s32 @!p0 $0x1;
	_ =	shalt  }
.Lfunc_end2:
_tile_overlayer_lowered:
.L_overlay_start_2:
0xfe: {  	(tag) =	ssettag $0x2  }
0xff: {  	s0 =	rddreg [dreg:$0x0];
	s2 =	stileid.u32  }
0x100: {  	s1 =	rddreg [dreg:$0x1];
	p0 =	sne.s32 s2, $0x0  }
0x101: {  	s3 =	rddreg [dreg:$0x2];
	[bflag:$0x3] =	sbarrier.arrive $0xFFFF;
	s2 =	simm.s32 @!p0 $0x1C02  }
0x102: {  	[timem:s3], [sflag:s2] =	dma.local @!p0 [hbm:s0], s1  }
0x103: {  	s0 =	simm.s32 @!p0 $0x2  }
0x104: {  	_ =	swait.ge @!p0 [sflag:s0], s1  }
0x105: {  	s1 =	ssub.s32 @!p0 $0x0, s1;
	[sflag:s0] =	ssyncset.done @!p0 $0x0  }
0x106: {  	[sflag:s0] =	ssyncadd.s32 @!p0 s1  }
0x107: {  	[bflag:$0x3] =	sbarrier.arrive $0xFFFF  }
0x108: {  	_ =	shalt  }

// kernel: kernel.9.cloned.1.call-start
scs
__scs_entry_jumppad:
0x0: {  	(pc) =	sbr.rel $0x88, $3  }
0x1: {  	(tag) =	ssettag $0x0;
	lr =	simm.s32 $0x1  }
0x2: {  	[smem:$0x3F99] =	sst lr;
	_ =	strace $0xD0000000  }
0x3: {  	_ = 	snop  }
0x4: {  	_ = 	snop  }
0x5: {  	_ = 	snop  }
0x6: {  	_ = 	snop  }
0x7: {  	_ = 	snop  }
__scs_overlays_trampoline_lowered:
0x8: {  	[smem:$0x3FA8] =	sst s0  }
0x9: {  	[smem:$0x3FA9] =	sst s1  }
0xa: {  	[smem:$0x3FAA] =	sst s2  }
0xb: {  	[smem:$0x3FAB] =	sst s3  }
0xc: {  	[smem:$0x3FAC] =	sst s4  }
0xd: {  	[smem:$0x3FAD] =	sst s5  }
0xe: {  	[smem:$0x3FAE] =	sst s6  }
0xf: {  	[smem:$0x3FAF] =	sst s7  }
0x10: {  	[smem:$0x3FB0] =	sst s8  }
0x11: {  	[smem:$0x3FB1] =	sst s9;
	s0 =	simm.s32 @!p0 $0x0  }
0x12: {  	s1 =	sld [smem:$0x3F97];
	s0 =	simm.s32 @p0 $0x1  }
0x13: {  	[smem:$0x3FB2] =	sst s0;
	s0 =	simm.s32 @!p1 $0x0  }
0x14: {  	s2 =	sld [smem:$0x3F96];
	s0 =	simm.s32 @p1 $0x1  }
0x15: {  	[smem:$0x3FB3] =	sst s0;
	s0 =	simm.s32 @!p2 $0x0  }
0x16: {  	s3 =	sld [smem:$0x3FDB];
	s0 =	simm.s32 @p2 $0x1  }
0x17: {  	s4 =	simm.s32 $0x1BF5;
	[smem:$0x3FB5] =	sst s0  }
0x18: {  	s0 =	sld [smem:$0x3F98];
	_ =	swait.ge [sflag:s4], $0x0  }
0x19: {  	s7 =	sld [smem:$0x3F99]  }
0x1a: {  	s8 =	sadd.s32 $0xFFFFE003, lr  }
0x1b: {  	s9 =	sadd.s32 $0xFFFFFEF7, lr;
	s5 =	simm.s32 $0xFFFFFFFF;
	p2 =	slt.u32 s8, $0xFFFFF086  }
0x1c: {  	p1 =	slt.u32 s9, $0xF7A;
	s5 =	simm.s32 @!p2 $0x0  }
0x1d: {  	s5 =	simm.s32 @p1 $0x1;
	p0 =	seq.s32 s7, s2  }
0x1e: {  	s7 =	smul.u32 @!p0 $0xF7A, s2;
	p2 =	seq.s32 @!p0 s5, $0x0  }
0x1f: {  	s9 =	smul.u32 $0xF7A, s1;
	s8 =	simm.s32 @!p0 $0x1BF5;
	p2 =	por !p2, p0  }
0x20: {  	[sflag:s8] =	ssyncset.s32 @!p0 $0xFFFFF086;
	s6 =	sadd.s32 @!p0 s3, s7;
	s7 =	simm.s32 @!p0 $0x108  }
0x21: {  	s3 =	sadd.s32 s3, s9;
	s6 =	sadd.s32 @!p0 $0x88, s6;
	s7 =	simm.s32 @p2 $0x1082  }
0x22: {  	[simem:s7], [sflag:s8] =	dma.local @!p0 [hbm:s6], $0xF7A  }
0x23: {  	s9 =	sor.u32 $0xD0000000, s2;
	s6 =	simm.s32 $0x108;
	_ =	swait.ge @!p0 [sflag:s8], $0x0  }
0x24: {  	s3 =	sadd.s32 $0x88, s3;
	s6 =	simm.s32 @!p1 $0x1082;
	[sflag:s4] =	ssyncset.s32 $0xFFFFF086  }
0x25: {  	[simem:s6], [sflag:s4] =	dma.local [hbm:s3], $0xF7A  }
0x26: {  	[smem:$0x3F99] =	sst s1;
	(tag) =	ssettag s2;
	_ =	strace s9  }
0x27: {  	s1 =	sld [smem:$0x3FA9]  }
0x28: {  	s2 =	sld [smem:$0x3FAA]  }
0x29: {  	s4 =	sld [smem:$0x3FAC]  }
0x2a: {  	p0 =	seq.s32 s5, $0x0;
	s5 =	sld [smem:$0x3FAD]  }
0x2b: {  	s6 =	sld [smem:$0x3FAE]  }
0x2c: {  	s7 =	sld [smem:$0x3FAF]  }
0x2d: {  	s3 =	simm.s32 $0x108;
	s8 =	sld [smem:$0x3FB0]  }
0x2e: {  	s3 =	simm.s32 @!p0 $0x1082;
	s9 =	sld [smem:$0x3FB1]  }
0x2f: {  	lr =	sadd.s32 s0, s3;
	s0 =	sld [smem:$0x3FA8]  }
0x30: {  	s3 =	sld [smem:$0x3FAB]  }
0x31: {  	[smem:$0x3FB4] =	sst s10  }
0x32: {  	s10 =	sld [smem:$0x3FB2];
	_ =	sdelay $0x3  }
0x33: {  	p0 =	seq.s32 s10, $0x1;
	s10 =	sld [smem:$0x3FB4];
	_ =	sdelay $0x3  }
0x34: {  	[smem:$0x3FB4] =	sst s10  }
0x35: {  	s10 =	sld [smem:$0x3FB3];
	_ =	sdelay $0x3  }
0x36: {  	p1 =	seq.s32 s10, $0x1;
	s10 =	sld [smem:$0x3FB4];
	_ =	sdelay $0x3  }
0x37: {  	[smem:$0x3FB4] =	sst s10  }
0x38: {  	s10 =	sld [smem:$0x3FB5]  }
0x39: {  	_ = 	snop;
	(pc) =	sbr.ind lr, $3  }
0x3a: {  	_ = 	snop  }
0x3b: {  	_ = 	snop  }
0x3c: {  	p2 =	seq.s32 s10, $0x1;
	s10 =	sld [smem:$0x3FB4]  }
0x3d: {  	_ =	shalt  }
0x3e: {  	_ =	shalt  }
0x3f: {  	_ =	shalt  }
0x40: {  	_ =	shalt  }
0x41: {  	_ =	shalt  }
0x42: {  	_ =	shalt  }
0x43: {  	_ =	shalt  }
0x44: {  	_ =	shalt  }
0x45: {  	_ =	shalt  }
0x46: {  	_ =	shalt  }
0x47: {  	_ =	shalt  }
0x48: {  	_ =	shalt  }
0x49: {  	_ =	shalt  }
0x4a: {  	_ =	shalt  }
0x4b: {  	_ =	shalt  }
0x4c: {  	_ =	shalt  }
0x4d: {  	_ =	shalt  }
0x4e: {  	_ =	shalt  }
0x4f: {  	_ =	shalt  }
0x50: {  	_ =	shalt  }
0x51: {  	_ =	shalt  }
0x52: {  	_ =	shalt  }
0x53: {  	_ =	shalt  }
0x54: {  	_ =	shalt  }
0x55: {  	_ =	shalt  }
0x56: {  	_ =	shalt  }
0x57: {  	_ =	shalt  }
0x58: {  	_ =	shalt  }
0x59: {  	_ =	shalt  }
0x5a: {  	_ =	shalt  }
0x5b: {  	_ =	shalt  }
0x5c: {  	_ =	shalt  }
0x5d: {  	_ =	shalt  }
0x5e: {  	_ =	shalt  }
0x5f: {  	_ =	shalt  }
0x60: {  	_ =	shalt  }
0x61: {  	_ =	shalt  }
0x62: {  	_ =	shalt  }
0x63: {  	_ =	shalt  }
0x64: {  	_ =	shalt  }
0x65: {  	_ =	shalt  }
0x66: {  	_ =	shalt  }
0x67: {  	_ =	shalt  }
0x68: {  	_ =	shalt  }
0x69: {  	_ =	shalt  }
0x6a: {  	_ =	shalt  }
0x6b: {  	_ =	shalt  }
0x6c: {  	_ =	shalt  }
0x6d: {  	_ =	shalt  }
0x6e: {  	_ =	shalt  }
0x6f: {  	_ =	shalt  }
0x70: {  	_ =	shalt  }
0x71: {  	_ =	shalt  }
0x72: {  	_ =	shalt  }
0x73: {  	_ =	shalt  }
0x74: {  	_ =	shalt  }
0x75: {  	_ =	shalt  }
0x76: {  	_ =	shalt  }
0x77: {  	_ =	shalt  }
0x78: {  	_ =	shalt  }
0x79: {  	_ =	shalt  }
0x7a: {  	_ =	shalt  }
0x7b: {  	_ =	shalt  }
0x7c: {  	_ =	shalt  }
0x7d: {  	_ =	shalt  }
0x7e: {  	_ =	shalt  }
0x7f: {  	_ =	shalt  }
0x80: {  	_ =	shalt  }
0x81: {  	_ =	shalt  }
0x82: {  	_ =	shalt  }
0x83: {  	_ =	shalt  }
0x84: {  	_ =	shalt  }
0x85: {  	_ =	shalt  }
0x86: {  	_ =	shalt  }
0x87: {  	_ =	shalt  }
.Lfunc_end0:
.L_simem_size_0:
called_computation.1_lowered:
.L_overlay_start_0:
0x88: {  	s2 =	sld [smem:$0x3FD9]  }
0x89: {  	s3 =	sld [smem:$0x3FFE];
	_ =	sdelay $0x1  }
0x8a: {  	s1 =	srdreg.scid  }
0x8b: {  	s0 =	sand.u32 $0x1, s1  }
0x8c: {  	s17 =	sshll.u32 s0, $0xA;
	s2 =	sadd.s32 s3, s2  }
0x8d: {  	s2 =	sadd.s32 s2, s17  }
0x8e: {  	[smem:$0x3FC0] =	sst s2  }
0x8f: {  	_ = 	snop  }
0x90: {  	s2 =	sld [smem:$0x3FD0];
	(tm) =	ssettm $0x1  }
0x91: {  	s18 =	sld [smem:$0x3FFB];
	_ =	sdelay $0x3  }
0x92: {  	_ =	strace s18  }
0x93: {  	s3 =	sld [smem:$0x3FFC];
	_ =	sdelay $0x3  }
0x94: {  	_ =	strace s3  }
0x95: {  	s3 =	sld [smem:$0x3FFD];
	_ =	sdelay $0x3  }
0x96: {  	_ =	strace s3  }
0x97: {  	_ =	strace $0x8FFFFFFF  }
0x98: {  	s19 =	sld [smem:$0x3FDB];
	_ =	sdelay $0x1  }
0x99: {  	s4 =	simm.s32 $_scs_section_size  }
0x9a: {  	s5 =	simm.s32 $_size__tile_overlayer_lowered;
	s6 =	simm.s32 $_tile_overlayer_lowered  }
0x9b: {  	s22 =	simm.s32 $0x1BFF;
	s21 =	sshll.u32 s6, $0x1;
	s3 =	sadd.s32 s4, s19  }
0x9c: {  	s7 =	simm.s32 $0x0;
	s20 =	sshll.u32 s5, $0x1;
	s5 =	sadd.s32 s21, s3  }
0x9d: {  	[timem:s7], [sflag:s22] =	dma.local [hbm:s5], s20  }
0x9e: {  	_ =	swait.ge [sflag:s22], s20  }
0x9f: {  	s4 =	ssub.s32 $0x0, s20;
	[sflag:s22] =	ssyncset.done $0x0  }
0xa0: {  	[sflag:s22] =	ssyncadd.s32 s4;
	_ =	sdelay $0x1  }
0xa1: {  	s23 =	simm.s32 $0x1B8B  }
0xa2: {  	_ =	swait.ge [sflag:s23], $0x1  }
0xa3: {  	[sflag:s23] =	ssyncset.done $0x0  }
0xa4: {  	s25 =	simm.s32 $0x1B8E;
	s24 =	sld [smem:$0x3FFE];
	[sflag:s23] =	ssyncadd.s32 $0xFFFFFFFF  }
0xa5: {  	s26 =	simm.s32 $execute0_lowered;
	[smem:$0x3FD2] =	sst s25  }
0xa6: {  	s5 =	sshll.u32 s26, $0x1;
	_ =	strace $0x80000049;
	[dreg:$0x1] =	wrdreg $0xFFFFFFFF  }
0xa7: {  	s28 =	simm.s32 $_size_execute0_lowered;
	s3 =	sadd.s32 s3, s5;
	[dreg:$0x0] =	wrdreg $0x0  }
0xa8: {  	s5 =	sshll.u32 s28, $0x1;
	[dreg:$0x2] =	wrdreg s3  }
0xa9: {  	[dreg:$0x3] =	wrdreg s5  }
0xaa: {  	[dreg:$0x4] =	wrdreg $0xC0  }
0xab: {  	_ =	task [dreg:s7], $0x5FFFF  }
0xac: {  	[dreg:$0x1] =	wrdreg $0xFFFFFFFF  }
0xad: {  	[dreg:$0x0] =	wrdreg $0x60  }
0xae: {  	[dreg:$0x2] =	wrdreg s24  }
0xaf: {  	[dreg:$0x3] =	wrdreg s2  }
0xb0: {  	[dreg:$0x4] =	wrdreg $0x9  }
0xb1: {  	_ =	task.clear_ibuf [dreg:s7], $0x5FFFF;
	_ =	strace $0x90000049  }
0xb2: {  	s29 =	simm.s32 $0x9;
	_ =	strace $0x8000004B  }
0xb3: {  	_ =	swait.ge [sflag:s29], $0x1  }
0xb4: {  	[sflag:s29] =	ssyncadd.s32 $0xFFFFFFFF  }
0xb5: {  	_ =	strace $0x9000004B  }
0xb6: {  	_ =	sfence  }
0xb7: {  	s30 =	sld [smem:$0x0];
	_ =	sdelay $0x2  }
0xb8: {  	s31 =	sshll.u32 s1, $0xD;
	s1 =	sshrl.u32 s1, $0x2  }
0xb9: {  	s3 =	sand.u32 $0x4000, s31;
	s1 =	sadd.s32 s1, s30  }
0xba: {  	s0 =	sor.u32 s3, s0;
	s1 =	sshll.u32 s1, $0x11  }
0xbb: {  	s0 =	sor.u32 s1, s0  }
0xbc: {  	s0 =	sadd.s32 $0x8F2B, s0  }
0xbd: {  	[sflag:s0] =	ssyncadd.remote.s32 $0x1  }
0xbe: {  	_ =	sfence.sel $0xFFFF  }
0xbf: {  	[dreg:$0x0] =	wrdreg $0xFFFFFFFF;
	(pc) =	sbr.abs _section_cstart, $3  }
0xc0: {  	[dreg:$0x1] =	wrdreg $0xFFFFFFFF  }
0xc1: {  	_ =	task.clear_ibuf [dreg:s7], $0x2FFFF;
	_ =	strace $0x9FFFFFFF  }
0xc2: {  	(tm) =	ssettm $0x7FFFFFFF  }
0xc3: {  	_ =	shalt  }
tec
execute0_lowered:
.L_overlay_start_1:
0x0: {  	(tag) =	ssettag $0x1  }
0x1: {  	s2 =	srdreg.scid;
	s1 =	rddreg [dreg:$0x0]  }
0x2: {  	s3 =	rddreg [dreg:$0x1];
	s4 =	sand.u32 $0x1, s2;
	s2 =	simm.s32 $0x0  }
0x3: {  	s0 =	stileid.u32;
	s25 =	simm.s32 $0x880;
	[smem:$0x7FF] =	sst s2  }
0x4: {  	s26 =	simm.s32 $0x1080;
	_ =	strace $0x8000004A;
	[dreg:$0x5] =	wrdreg s25  }
0x5: {  	s5 =	sshll.u32 s0, $0x5;
	s0 =	simm.s32 $0x1880;
	[dreg:$0x6] =	wrdreg s26  }
0x6: {  	s7 =	simm.s32 $0x3080;
	[dreg:$0x7] =	wrdreg s0  }
0x7: {  	s8 =	simm.s32 $0x3880;
	[dreg:$0xa] =	wrdreg s7  }
0x8: {  	s9 =	simm.s32 $0x4080;
	[dreg:$0xb] =	wrdreg s8  }
0x9: {  	s10 =	simm.s32 $0x4880;
	[dreg:$0xc] =	wrdreg s9  }
0xa: {  	s11 =	simm.s32 $0x5080;
	[dreg:$0xd] =	wrdreg s10  }
0xb: {  	s12 =	simm.s32 $0x5880;
	[dreg:$0xe] =	wrdreg s11  }
0xc: {  	s13 =	simm.s32 $0x6080;
	[dreg:$0xf] =	wrdreg s12  }
0xd: {  	s14 =	simm.s32 $0x6880;
	[dreg:$0x10] =	wrdreg s13  }
0xe: {  	s15 =	simm.s32 $0x7080;
	[dreg:$0x11] =	wrdreg s14  }
0xf: {  	s16 =	simm.s32 $0x7880;
	s17 =	simm.s32 $0x8080;
	[dreg:$0x12] =	wrdreg s15  }
0x10: {  	s18 =	simm.s32 $0x8880;
	s19 =	simm.s32 $0x9080;
	[dreg:$0x13] =	wrdreg s16  }
0x11: {  	s21 =	simm.s32 $0x9880;
	s22 =	simm.s32 $0xA080;
	[dreg:$0x14] =	wrdreg s17  }
0x12: {  	s23 =	simm.s32 $0xB080;
	s24 =	simm.s32 $0xB880;
	[dreg:$0x15] =	wrdreg s18  }
0x13: {  	s28 =	simm.s32 $0x16080;
	s29 =	simm.s32 $0x16880;
	[dreg:$0x16] =	wrdreg s19  }
0x14: {  	s30 =	simm.s32 $0x17080;
	s31 =	simm.s32 $0x17880;
	[dreg:$0x17] =	wrdreg s21  }
0x15: {  	s6 =	sshll.u32 s4, $0x4;
	s4 =	ssub.s32 $0x2, s4;
	[dreg:$0x18] =	wrdreg s22  }
0x16: {  	s5 =	sor.u32 s6, s5;
	s20 =	sshrl.u32 s4, $0x1;
	[dreg:$0x1a] =	wrdreg s23  }
0x17: {  	s7 =	simm.s32 $0xA880;
	[dreg:$0x1b] =	wrdreg s24;
	s25 =	simm.s32 $0xC080  }
0x18: {  	s8 =	simm.s32 $0x80;
	s26 =	simm.s32 $0xC880;
	s10 =	simm.s32 $0xD880  }
0x19: {  	s11 =	simm.s32 $0xE080;
	s12 =	simm.s32 $0xE880;
	s13 =	simm.s32 $0xF080  }
0x1a: {  	s14 =	simm.s32 $0xF880;
	s15 =	simm.s32 $0x10080;
	s16 =	simm.s32 $0x10880  }
0x1b: {  	s17 =	simm.s32 $0x11080;
	s18 =	simm.s32 $0x11880;
	s19 =	simm.s32 $0x12080  }
0x1c: {  	s21 =	simm.s32 $0x13080;
	s22 =	simm.s32 $0x13880;
	[dreg:$0x19] =	wrdreg s7  }
0x1d: {  	s6 =	sadd.s32 s5, s1;
	s5 =	smul.u32 $0x300, s5;
	[dreg:$0x1c] =	wrdreg s25  }
0x1e: {  	s23 =	simm.s32 $0x14080;
	[dreg:$0x1d] =	wrdreg s26;
	s6 =	sadd.s32 $0x122200, s6  }
0x1f: {  	s24 =	simm.s32 $0x14880;
	[dreg:$0x3] =	wrdreg s6;
	s3 =	sadd.s32 s3, s5  }
0x20: {  	s7 =	simm.s32 $0x2;
	s5 =	simm.s32 $0x2080;
	[dreg:$0x4] =	wrdreg s3  }
0x21: {  	s25 =	simm.s32 $0x15080;
	s6 =	simm.s32 $0x2880;
	[dreg:$0x8] =	wrdreg s5  }
0x22: {  	v2 =	vlaneseq.u32;
	s26 =	simm.s32 $0x15880;
	[dreg:$0x9] =	wrdreg s6;
	s3 =	sadd.s32 $0x122400, s1  }
0x23: {  	vm0 =	vmmov $0xffff;
	v1 =	vshrl.u32 v2, $0x3;
	s6 =	ssub.s32 s4, s20;
	s4 =	sadd.s32 $0x122500, s1;
	s5 =	sadd.s32 $0x122600, s1  }
0x24: {  	v0 =	vand.u32 $0x7, v2;
	v2 =	vor.u32 $0x8, v2;
	v1 =	vmul.u32 $0x8, v1;
	s20 =	simm.s32 $0x12880;
	s1 =	simm.s32 $0x1;
	s6 =	smax.u32 s6, $0x1  }
.LBB2_1:
0x25: {  	s0 =	rddreg [dreg:$0x3]  }
0x26: {  	[tilespmem:s2], [sflag:$0x2] =	stream.linear.gather [hbm4b:s0+s2], $0x80, $0x38;
	[tilespmem:$0x18080] =	vst v63  }
0x27: {  	_ =	swait.ge [sflag:s7], $0x80  }
0x28: {  	[sflag:s7] =	ssyncset.done $0x0  }
0x29: {  	[sflag:s7] =	ssyncadd.s32 $0xFFFFFF80  }
0x2a: {  	v3 =	vld [tilespmem:$0x0];
	_ =	sdelay $0x4  }
0x2b: {  	v4 =	vshrl.u32 v3, $0x3  }
0x2c: {  	v4 =	vmul.u32 $0x30, v4  }
0x2d: {  	v3 =	vand.u32 $0x7, v3  }
0x2e: {  	v3 =	vor.u32 v3, v4  }
0x2f: {  	v4 =	vperm.xlane v3, v0;
	_ =	sdelay $0x1  }
0x30: {  	v4 =	vadd.s32 v1, v4;
	_ =	sdelay $0x3  }
0x31: {  	v3 =	vperm.xlane v3, v2  }
0x32: {  	[tilespmem:s8], [sflag:$0x1] =	stream.indirect_vreg.gather [hbm4b:s3+s2], $0x80, v4, vm0, $0xb8;
	[tilespmem:$0x18080] =	vst v63  }
0x33: {  	s0 =	rddreg [dreg:$0x5];
	v3 =	vadd.s32 v1, v3  }
0x34: {  	[tilespmem:s0], [sflag:$0x1] =	stream.indirect_vreg.gather [hbm4b:s4+s2], $0x80, v4, vm0, $0xb8;
	[tilespmem:$0x18080] =	vst v63  }
0x35: {  	s9 =	rddreg [dreg:$0x6]  }
0x36: {  	[tilespmem:s9], [sflag:$0x1] =	stream.indirect_vreg.gather [hbm4b:s5+s2], $0x80, v4, vm0, $0xb8;
	[tilespmem:$0x18080] =	vst v63  }
0x37: {  	s0 =	rddreg [dreg:$0x7]  }
0x38: {  	[tilespmem:s0], [sflag:$0x1] =	stream.indirect_vreg.gather [hbm4b:s3+s2], $0x80, v3, vm0, $0xb8;
	[tilespmem:$0x18080] =	vst v63  }
0x39: {  	s9 =	rddreg [dreg:$0x8]  }
0x3a: {  	[tilespmem:s9], [sflag:$0x1] =	stream.indirect_vreg.gather [hbm4b:s4+s2], $0x80, v3, vm0, $0xb8;
	[tilespmem:$0x18080] =	vst v63  }
0x3b: {  	s0 =	rddreg [dreg:$0x9]  }
0x3c: {  	[tilespmem:s0], [sflag:$0x1] =	stream.indirect_vreg.gather [hbm4b:s5+s2], $0x80, v3, vm0, $0xb8;
	[tilespmem:$0x18080] =	vst v63  }
0x3d: {  	v3 =	vld [tilespmem:$0x10];
	_ =	sdelay $0x4  }
0x3e: {  	v57 =	vshrl.u32 v3, $0x3  }
0x3f: {  	v4 =	vmul.u32 $0x30, v57  }
0x40: {  	v3 =	vand.u32 $0x7, v3  }
0x41: {  	v3 =	vor.u32 v3, v4  }
0x42: {  	v4 =	vperm.xlane v3, v0;
	_ =	sdelay $0x1  }
0x43: {  	v4 =	vadd.s32 v1, v4;
	_ =	sdelay $0x3  }
0x44: {  	s0 =	rddreg [dreg:$0xa];
	v3 =	vperm.xlane v3, v2  }
0x45: {  	[tilespmem:s0], [sflag:$0x1] =	stream.indirect_vreg.gather [hbm4b:s3+s2], $0x80, v4, vm0, $0xb8;
	[tilespmem:$0x18080] =	vst v63  }
0x46: {  	s9 =	rddreg [dreg:$0xb];
	v3 =	vadd.s32 v1, v3  }
0x47: {  	[tilespmem:s9], [sflag:$0x1] =	stream.indirect_vreg.gather [hbm4b:s4+s2], $0x80, v4, vm0, $0xb8;
	[tilespmem:$0x18080] =	vst v63  }
0x48: {  	s0 =	rddreg [dreg:$0xc]  }
0x49: {  	[tilespmem:s0], [sflag:$0x1] =	stream.indirect_vreg.gather [hbm4b:s5+s2], $0x80, v4, vm0, $0xb8;
	[tilespmem:$0x18080] =	vst v63  }
0x4a: {  	s9 =	rddreg [dreg:$0xd]  }
0x4b: {  	[tilespmem:s9], [sflag:$0x1] =	stream.indirect_vreg.gather [hbm4b:s3+s2], $0x80, v3, vm0, $0xb8;
	[tilespmem:$0x18080] =	vst v63  }
0x4c: {  	s0 =	rddreg [dreg:$0xe]  }
0x4d: {  	[tilespmem:s0], [sflag:$0x1] =	stream.indirect_vreg.gather [hbm4b:s4+s2], $0x80, v3, vm0, $0xb8;
	[tilespmem:$0x18080] =	vst v63  }
0x4e: {  	s9 =	rddreg [dreg:$0xf]  }
0x4f: {  	[tilespmem:s9], [sflag:$0x1] =	stream.indirect_vreg.gather [hbm4b:s5+s2], $0x80, v3, vm0, $0xb8;
	[tilespmem:$0x18080] =	vst v63  }
0x50: {  	v3 =	vld [tilespmem:$0x20];
	_ =	sdelay $0x4  }
0x51: {  	v58 =	vshrl.u32 v3, $0x3  }
0x52: {  	v4 =	vmul.u32 $0x30, v58  }
0x53: {  	v3 =	vand.u32 $0x7, v3  }
0x54: {  	v3 =	vor.u32 v3, v4  }
0x55: {  	v4 =	vperm.xlane v3, v0;
	_ =	sdelay $0x1  }
0x56: {  	v4 =	vadd.s32 v1, v4;
	_ =	sdelay $0x3  }
0x57: {  	s0 =	rddreg [dreg:$0x10];
	v3 =	vperm.xlane v3, v2  }
0x58: {  	[tilespmem:s0], [sflag:$0x1] =	stream.indirect_vreg.gather [hbm4b:s3+s2], $0x80, v4, vm0, $0xb8;
	[tilespmem:$0x18080] =	vst v63  }
0x59: {  	s9 =	rddreg [dreg:$0x11];
	v3 =	vadd.s32 v1, v3  }
0x5a: {  	[tilespmem:s9], [sflag:$0x1] =	stream.indirect_vreg.gather [hbm4b:s4+s2], $0x80, v4, vm0, $0xb8;
	[tilespmem:$0x18080] =	vst v63  }
0x5b: {  	s0 =	rddreg [dreg:$0x12]  }
0x5c: {  	[tilespmem:s0], [sflag:$0x1] =	stream.indirect_vreg.gather [hbm4b:s5+s2], $0x80, v4, vm0, $0xb8;
	[tilespmem:$0x18080] =	vst v63  }
0x5d: {  	s9 =	rddreg [dreg:$0x13]  }
0x5e: {  	[tilespmem:s9], [sflag:$0x1] =	stream.indirect_vreg.gather [hbm4b:s3+s2], $0x80, v3, vm0, $0xb8;
	[tilespmem:$0x18080] =	vst v63  }
0x5f: {  	s0 =	rddreg [dreg:$0x14]  }
0x60: {  	[tilespmem:s0], [sflag:$0x1] =	stream.indirect_vreg.gather [hbm4b:s4+s2], $0x80, v3, vm0, $0xb8;
	[tilespmem:$0x18080] =	vst v63  }
0x61: {  	s9 =	rddreg [dreg:$0x15]  }
0x62: {  	[tilespmem:s9], [sflag:$0x1] =	stream.indirect_vreg.gather [hbm4b:s5+s2], $0x80, v3, vm0, $0xb8;
	[tilespmem:$0x18080] =	vst v63  }
0x63: {  	v3 =	vld [tilespmem:$0x30];
	_ =	sdelay $0x4  }
0x64: {  	v59 =	vshrl.u32 v3, $0x3  }
0x65: {  	v4 =	vmul.u32 $0x30, v59  }
0x66: {  	v3 =	vand.u32 $0x7, v3  }
0x67: {  	v3 =	vor.u32 v3, v4  }
0x68: {  	v4 =	vperm.xlane v3, v0;
	_ =	sdelay $0x1  }
0x69: {  	v4 =	vadd.s32 v1, v4;
	_ =	sdelay $0x3  }
0x6a: {  	s0 =	rddreg [dreg:$0x16];
	v3 =	vperm.xlane v3, v2  }
0x6b: {  	[tilespmem:s0], [sflag:$0x1] =	stream.indirect_vreg.gather [hbm4b:s3+s2], $0x80, v4, vm0, $0xb8;
	[tilespmem:$0x18080] =	vst v63  }
0x6c: {  	s9 =	rddreg [dreg:$0x17];
	v3 =	vadd.s32 v1, v3  }
0x6d: {  	[tilespmem:s9], [sflag:$0x1] =	stream.indirect_vreg.gather [hbm4b:s4+s2], $0x80, v4, vm0, $0xb8;
	[tilespmem:$0x18080] =	vst v63  }
0x6e: {  	s0 =	rddreg [dreg:$0x18]  }
0x6f: {  	[tilespmem:s0], [sflag:$0x1] =	stream.indirect_vreg.gather [hbm4b:s5+s2], $0x80, v4, vm0, $0xb8;
	[tilespmem:$0x18080] =	vst v63  }
0x70: {  	s9 =	rddreg [dreg:$0x19]  }
0x71: {  	[tilespmem:s9], [sflag:$0x1] =	stream.indirect_vreg.gather [hbm4b:s3+s2], $0x80, v3, vm0, $0xb8;
	[tilespmem:$0x18080] =	vst v63  }
0x72: {  	s0 =	rddreg [dreg:$0x1a]  }
0x73: {  	[tilespmem:s0], [sflag:$0x1] =	stream.indirect_vreg.gather [hbm4b:s4+s2], $0x80, v3, vm0, $0xb8;
	[tilespmem:$0x18080] =	vst v63  }
0x74: {  	s9 =	rddreg [dreg:$0x1b]  }
0x75: {  	[tilespmem:s9], [sflag:$0x1] =	stream.indirect_vreg.gather [hbm4b:s5+s2], $0x80, v3, vm0, $0xb8;
	[tilespmem:$0x18080] =	vst v63  }
0x76: {  	v3 =	vld [tilespmem:$0x40];
	_ =	sdelay $0x4  }
0x77: {  	v60 =	vshrl.u32 v3, $0x3  }
0x78: {  	v4 =	vmul.u32 $0x30, v60  }
0x79: {  	v3 =	vand.u32 $0x7, v3  }
0x7a: {  	v3 =	vor.u32 v3, v4  }
0x7b: {  	v4 =	vperm.xlane v3, v0;
	_ =	sdelay $0x1  }
0x7c: {  	v4 =	vadd.s32 v1, v4;
	_ =	sdelay $0x3  }
0x7d: {  	s0 =	rddreg [dreg:$0x1c];
	v3 =	vperm.xlane v3, v2  }
0x7e: {  	[tilespmem:s0], [sflag:$0x1] =	stream.indirect_vreg.gather [hbm4b:s3+s2], $0x80, v4, vm0, $0xb8;
	[tilespmem:$0x18080] =	vst v63  }
0x7f: {  	s9 =	rddreg [dreg:$0x1d];
	v3 =	vadd.s32 v1, v3  }
0x80: {  	[tilespmem:s9], [sflag:$0x1] =	stream.indirect_vreg.gather [hbm4b:s4+s2], $0x80, v4, vm0, $0xb8;
	[tilespmem:$0x18080] =	vst v63  }
0x81: {  	s9 =	simm.s32 $0xD080  }
0x82: {  	[tilespmem:s9], [sflag:$0x1] =	stream.indirect_vreg.gather [hbm4b:s5+s2], $0x80, v4, vm0, $0xb8;
	[tilespmem:$0x18080] =	vst v63  }
0x83: {  	_ = 	snop  }
0x84: {  	[tilespmem:s10], [sflag:$0x1] =	stream.indirect_vreg.gather [hbm4b:s3+s2], $0x80, v3, vm0, $0xb8;
	[tilespmem:$0x18080] =	vst v63  }
0x85: {  	_ = 	snop  }
0x86: {  	[tilespmem:s11], [sflag:$0x1] =	stream.indirect_vreg.gather [hbm4b:s4+s2], $0x80, v3, vm0, $0xb8;
	[tilespmem:$0x18080] =	vst v63  }
0x87: {  	_ = 	snop  }
0x88: {  	[tilespmem:s12], [sflag:$0x1] =	stream.indirect_vreg.gather [hbm4b:s5+s2], $0x80, v3, vm0, $0xb8;
	[tilespmem:$0x18080] =	vst v63  }
0x89: {  	v3 =	vld [tilespmem:$0x50];
	_ =	sdelay $0x4  }
0x8a: {  	v61 =	vshrl.u32 v3, $0x3  }
0x8b: {  	v4 =	vmul.u32 $0x30, v61  }
0x8c: {  	v3 =	vand.u32 $0x7, v3  }
0x8d: {  	v3 =	vor.u32 v3, v4  }
0x8e: {  	v4 =	vperm.xlane v3, v0;
	_ =	sdelay $0x1  }
0x8f: {  	v4 =	vadd.s32 v1, v4;
	_ =	sdelay $0x3  }
0x90: {  	v3 =	vperm.xlane v3, v2  }
0x91: {  	[tilespmem:s13], [sflag:$0x1] =	stream.indirect_vreg.gather [hbm4b:s3+s2], $0x80, v4, vm0, $0xb8;
	[tilespmem:$0x18080] =	vst v63  }
0x92: {  	v3 =	vadd.s32 v1, v3  }
0x93: {  	[tilespmem:s14], [sflag:$0x1] =	stream.indirect_vreg.gather [hbm4b:s4+s2], $0x80, v4, vm0, $0xb8;
	[tilespmem:$0x18080] =	vst v63  }
0x94: {  	_ = 	snop  }
0x95: {  	[tilespmem:s15], [sflag:$0x1] =	stream.indirect_vreg.gather [hbm4b:s5+s2], $0x80, v4, vm0, $0xb8;
	[tilespmem:$0x18080] =	vst v63  }
0x96: {  	_ = 	snop  }
0x97: {  	[tilespmem:s16], [sflag:$0x1] =	stream.indirect_vreg.gather [hbm4b:s3+s2], $0x80, v3, vm0, $0xb8;
	[tilespmem:$0x18080] =	vst v63  }
0x98: {  	_ = 	snop  }
0x99: {  	[tilespmem:s17], [sflag:$0x1] =	stream.indirect_vreg.gather [hbm4b:s4+s2], $0x80, v3, vm0, $0xb8;
	[tilespmem:$0x18080] =	vst v63  }
0x9a: {  	_ = 	snop  }
0x9b: {  	[tilespmem:s18], [sflag:$0x1] =	stream.indirect_vreg.gather [hbm4b:s5+s2], $0x80, v3, vm0, $0xb8;
	[tilespmem:$0x18080] =	vst v63  }
0x9c: {  	v3 =	vld [tilespmem:$0x60];
	_ =	sdelay $0x4  }
0x9d: {  	v62 =	vshrl.u32 v3, $0x3  }
0x9e: {  	v4 =	vmul.u32 $0x30, v62  }
0x9f: {  	v3 =	vand.u32 $0x7, v3  }
0xa0: {  	v3 =	vor.u32 v3, v4  }
0xa1: {  	v4 =	vperm.xlane v3, v0;
	_ =	sdelay $0x1  }
0xa2: {  	v4 =	vadd.s32 v1, v4;
	_ =	sdelay $0x3  }
0xa3: {  	v3 =	vperm.xlane v3, v2  }
0xa4: {  	[tilespmem:s19], [sflag:$0x1] =	stream.indirect_vreg.gather [hbm4b:s3+s2], $0x80, v4, vm0, $0xb8;
	[tilespmem:$0x18080] =	vst v63  }
0xa5: {  	v3 =	vadd.s32 v1, v3  }
0xa6: {  	[tilespmem:s20], [sflag:$0x1] =	stream.indirect_vreg.gather [hbm4b:s4+s2], $0x80, v4, vm0, $0xb8;
	[tilespmem:$0x18080] =	vst v63  }
0xa7: {  	_ = 	snop  }
0xa8: {  	[tilespmem:s21], [sflag:$0x1] =	stream.indirect_vreg.gather [hbm4b:s5+s2], $0x80, v4, vm0, $0xb8;
	[tilespmem:$0x18080] =	vst v63  }
0xa9: {  	_ = 	snop  }
0xaa: {  	[tilespmem:s22], [sflag:$0x1] =	stream.indirect_vreg.gather [hbm4b:s3+s2], $0x80, v3, vm0, $0xb8;
	[tilespmem:$0x18080] =	vst v63  }
0xab: {  	_ = 	snop  }
0xac: {  	[tilespmem:s23], [sflag:$0x1] =	stream.indirect_vreg.gather [hbm4b:s4+s2], $0x80, v3, vm0, $0xb8;
	[tilespmem:$0x18080] =	vst v63  }
0xad: {  	_ = 	snop  }
0xae: {  	[tilespmem:s24], [sflag:$0x1] =	stream.indirect_vreg.gather [hbm4b:s5+s2], $0x80, v3, vm0, $0xb8;
	[tilespmem:$0x18080] =	vst v63  }
0xaf: {  	v3 =	vld [tilespmem:$0x70];
	_ =	sdelay $0x4  }
0xb0: {  	v63 =	vshrl.u32 v3, $0x3  }
0xb1: {  	v4 =	vmul.u32 $0x30, v63  }
0xb2: {  	v3 =	vand.u32 $0x7, v3  }
0xb3: {  	v3 =	vor.u32 v3, v4  }
0xb4: {  	v4 =	vperm.xlane v3, v0;
	_ =	sdelay $0x1  }
0xb5: {  	v4 =	vadd.s32 v1, v4;
	_ =	sdelay $0x3  }
0xb6: {  	v3 =	vperm.xlane v3, v2  }
0xb7: {  	[tilespmem:s25], [sflag:$0x1] =	stream.indirect_vreg.gather [hbm4b:s3+s2], $0x80, v4, vm0, $0xb8;
	[tilespmem:$0x18080] =	vst v63  }
0xb8: {  	v3 =	vadd.s32 v1, v3  }
0xb9: {  	[tilespmem:s26], [sflag:$0x1] =	stream.indirect_vreg.gather [hbm4b:s4+s2], $0x80, v4, vm0, $0xb8;
	[tilespmem:$0x18080] =	vst v63  }
0xba: {  	_ = 	snop  }
0xbb: {  	[tilespmem:s28], [sflag:$0x1] =	stream.indirect_vreg.gather [hbm4b:s5+s2], $0x80, v4, vm0, $0xb8;
	[tilespmem:$0x18080] =	vst v63  }
0xbc: {  	_ = 	snop  }
0xbd: {  	[tilespmem:s29], [sflag:$0x1] =	stream.indirect_vreg.gather [hbm4b:s3+s2], $0x80, v3, vm0, $0xb8;
	[tilespmem:$0x18080] =	vst v63  }
0xbe: {  	_ = 	snop  }
0xbf: {  	[tilespmem:s30], [sflag:$0x1] =	stream.indirect_vreg.gather [hbm4b:s4+s2], $0x80, v3, vm0, $0xb8;
	[tilespmem:$0x18080] =	vst v63  }
0xc0: {  	_ = 	snop  }
0xc1: {  	[tilespmem:s31], [sflag:$0x1] =	stream.indirect_vreg.gather [hbm4b:s5+s2], $0x80, v3, vm0, $0xb8;
	[tilespmem:$0x18080] =	vst v63  }
0xc2: {  	_ =	swait.ge [sflag:s1], $0x18000  }
0xc3: {  	p0 =	sne.s32 s6, $0x1;
	[sflag:s1] =	ssyncset.done $0x0  }
.Ltmp0:
0xc4: {  	s9 =	rddreg [dreg:$0x4];
	[sflag:s1] =	ssyncadd.s32 $0xFFFE8000;
	(pc) =	sbr.rel @p0 .LBB2_1-.Ltmp0, $4  }
0xc5: {  	[hbm4b:s9+s2] =	stream.linear.scatter [tilespmem:s8], [sflag:$0x2], $0x18000, $0x38;
	[tilespmem:$0x18080] =	vst v63  }
0xc6: {  	_ =	swait.ge [sflag:s7], $0x18000  }
0xc7: {  	[sflag:s7] =	ssyncset.done $0x0  }
0xc8: {  	s6 =	sadd.s32 $0xFFFFFFFF, s6;
	[sflag:s7] =	ssyncadd.s32 $0xFFFE8000  }
0xc9: {  	_ =	sfence.sel $0x180000  }
0xca: {  	[bflag:$0x0] =	sbarrier.arrive $0xFFFF  }
0xcb: {  	_ =	strace $0x9000004A  }
0xcc: {  	s0 =	stileid.u32;
	[bflag:$0x2] =	sbarrier.arrive $0xFFFF  }
0xcd: {  	p0 =	sne.s32 s0, $0x0;
	s0 =	rddreg [dreg:$0x2]  }
0xce: {  	s0 =	sadd.s32 @!p0 $0x100000, s0  }
0xcf: {  	[sflag:s0] =	ssyncadd.tile.s32 @!p0 $0x1;
	_ =	shalt  }
.Lfunc_end2:
_tile_overlayer_lowered:
.L_overlay_start_2:
0xd0: {  	(tag) =	ssettag $0x2  }
0xd1: {  	s0 =	rddreg [dreg:$0x0];
	s2 =	stileid.u32  }
0xd2: {  	s1 =	rddreg [dreg:$0x1];
	p0 =	sne.s32 s2, $0x0  }
0xd3: {  	s3 =	rddreg [dreg:$0x2];
	[bflag:$0x3] =	sbarrier.arrive $0xFFFF;
	s2 =	simm.s32 @!p0 $0x1C02  }
0xd4: {  	[timem:s3], [sflag:s2] =	dma.local @!p0 [hbm:s0], s1  }
0xd5: {  	s0 =	simm.s32 @!p0 $0x2  }
0xd6: {  	_ =	swait.ge @!p0 [sflag:s0], s1  }
0xd7: {  	s1 =	ssub.s32 @!p0 $0x0, s1;
	[sflag:s0] =	ssyncset.done @!p0 $0x0  }
0xd8: {  	[sflag:s0] =	ssyncadd.s32 @!p0 s1  }
0xd9: {  	[bflag:$0x3] =	sbarrier.arrive $0xFFFF  }
0xda: {  	_ =	shalt  }

</sc_bundles>
